<compile_context>
chip_gen: v7x
topology: tpu7x:2x2x1
jax: 0.10.2.dev20260603
libtpu: 0.0.44.dev20260713+nightly
codegen_flags: <defaults>
</compile_context>

<pallas_src>
import functools

import jax
import jax.numpy as jnp
from jax import lax
from jax.experimental import pallas as pl
from jax.experimental.pallas import tpu as pltpu
from jax.experimental.pallas import tpu_sc as plsc

E = 64
D = 768
H = 2048
S = 2048
BT = 64
S_PAD = S + 7 * E + BT
NW = 32
TPW = S // NW


def _gate_body(x_ref, gw_ref, pos_ref, starts_ref, counts_ref):
    x = x_ref[...]
    gw = gw_ref[...]
    logits = lax.dot_general(x, gw, (((1,), (1,)), ((), ())),
                             preferred_element_type=jnp.float32)
    mx = jnp.max(logits, axis=1, keepdims=True)
    eids = lax.broadcasted_iota(jnp.int32, (S, E), 1)
    sel = jnp.min(jnp.where(logits >= mx, eids, E), axis=1, keepdims=True)
    onehot = (eids == sel).astype(jnp.float32)

    G = 16
    GS = S // G
    rg = lax.broadcasted_iota(jnp.int32, (GS, GS), 0)
    cg = lax.broadcasted_iota(jnp.int32, (GS, GS), 1)
    tril_g = (cg < rg).astype(jnp.float32)
    group_sums = []
    local_rank = []
    for g in range(G):
        oh_g = onehot[g * GS:(g + 1) * GS]
        cum_g = lax.dot_general(tril_g, oh_g, (((1,), (0,)), ((), ())),
                                preferred_element_type=jnp.float32)
        local_rank.append(jnp.sum(cum_g * oh_g, axis=1, keepdims=True))
        group_sums.append(jnp.sum(oh_g, axis=0, keepdims=True))
    gt = jnp.concatenate(group_sums, axis=0)
    rG = lax.broadcasted_iota(jnp.int32, (G, G), 0)
    cG = lax.broadcasted_iota(jnp.int32, (G, G), 1)
    tril_G = (cG < rG).astype(jnp.float32)
    gbase = lax.dot_general(tril_G, gt, (((1,), (0,)), ((), ())),
                            preferred_element_type=jnp.float32)
    rank_parts = []
    for g in range(G):
        oh_g = onehot[g * GS:(g + 1) * GS]
        base_g = jnp.sum(oh_g * gbase[g:g + 1, :], axis=1, keepdims=True)
        rank_parts.append(local_rank[g] + base_g)
    rank = jnp.concatenate(rank_parts, axis=0)

    counts = jnp.sum(gt, axis=0, keepdims=True)
    counts8 = jnp.floor((counts + 7.0) * 0.125) * 8.0
    re = lax.broadcasted_iota(jnp.int32, (E, E), 0)
    ce = lax.broadcasted_iota(jnp.int32, (E, E), 1)
    triu = (re < ce).astype(jnp.float32)
    offs = lax.dot_general(counts8, triu, (((1,), (0,)), ((), ())),
                           preferred_element_type=jnp.float32)

    base = jnp.sum(onehot * offs, axis=1, keepdims=True)
    pos_ref[...] = (base + rank).astype(jnp.int32)
    starts_ref[...] = offs.astype(jnp.int32)
    counts_ref[...] = counts.astype(jnp.int32)


_gate_call = pl.pallas_call(
    _gate_body,
    out_shape=(
        jax.ShapeDtypeStruct((S, 1), jnp.int32),
        jax.ShapeDtypeStruct((1, E), jnp.int32),
        jax.ShapeDtypeStruct((1, E), jnp.int32),
    ),
)


@functools.cache
def _sc_kernels():
    mesh = plsc.VectorSubcoreMesh(core_axis_name="c", subcore_axis_name="s")
    sc_scratch = [
        pltpu.VMEM((TPW,), jnp.int32),
        pltpu.VMEM((TPW, D), jnp.float32),
        pltpu.SemaphoreType.DMA,
    ]

    @functools.partial(
        pl.kernel,
        out_type=jax.ShapeDtypeStruct((S_PAD, D), jnp.float32),
        mesh=mesh,
        scratch_types=sc_scratch,
    )
    def dispatch(x_hbm, pos_hbm, out_hbm, idx_v, rows_v, sem):
        wid = lax.axis_index("s") * 2 + lax.axis_index("c")
        base = wid * TPW
        pltpu.sync_copy(pos_hbm.at[pl.ds(base, TPW)], idx_v)
        pltpu.sync_copy(x_hbm.at[pl.ds(base, TPW)], rows_v)
        pltpu.async_copy(rows_v, out_hbm.at[idx_v], sem).wait()

    @functools.partial(
        pl.kernel,
        out_type=jax.ShapeDtypeStruct((S, D), jnp.float32),
        mesh=mesh,
        scratch_types=sc_scratch,
    )
    def combine(y_hbm, pos_hbm, out_hbm, idx_v, rows_v, sem):
        wid = lax.axis_index("s") * 2 + lax.axis_index("c")
        base = wid * TPW
        pltpu.sync_copy(pos_hbm.at[pl.ds(base, TPW)], idx_v)
        pltpu.async_copy(y_hbm.at[idx_v], rows_v, sem).wait()
        pltpu.sync_copy(rows_v, out_hbm.at[pl.ds(base, TPW)])

    return dispatch, combine


EB = 1


def _ffn_body(starts_ref, counts_ref, x_ref, w0_ref, b0_ref, w1_ref, b1_ref,
              w2_ref, b2_ref, y_ref):
    eg = pl.program_id(0)

    for j in range(EB):
        e = eg * EB + j
        start = pl.multiple_of(starts_ref[e], 8)
        count = counts_ref[e]
        nt = (count + BT - 1) // BT

        def tile(t, _, j=j, start=start, count=count):
            s = start + t * BT
            tok = x_ref[pl.ds(s, BT), :]
            h = lax.dot_general(tok, w0_ref[j], (((1,), (1,)), ((), ())),
                                preferred_element_type=jnp.float32) + b0_ref[j]
            u = lax.dot_general(tok, w1_ref[j], (((1,), (1,)), ((), ())),
                                preferred_element_type=jnp.float32) + b1_ref[j]
            g = u * jax.nn.sigmoid(u)
            o = lax.dot_general(h * g, w2_ref[j], (((1,), (1,)), ((), ())),
                                preferred_element_type=jnp.float32) + b2_ref[j]
            rem = count - t * BT
            keep = lax.broadcasted_iota(jnp.int32, (BT, D), 0) < rem
            cur = y_ref[pl.ds(s, BT), :]
            y_ref[pl.ds(s, BT), :] = jnp.where(keep, o, cur)
            return 0

        lax.fori_loop(0, nt, tile, 0)


_ffn_call = pl.pallas_call(
    _ffn_body,
    grid_spec=pltpu.PrefetchScalarGridSpec(
        num_scalar_prefetch=2,
        grid=(E // EB,),
        in_specs=[
            pl.BlockSpec((S_PAD, D), lambda e, *_: (0, 0)),
            pl.BlockSpec((EB, H, D), lambda e, *_: (e, 0, 0)),
            pl.BlockSpec((EB, 1, H), lambda e, *_: (e, 0, 0)),
            pl.BlockSpec((EB, H, D), lambda e, *_: (e, 0, 0)),
            pl.BlockSpec((EB, 1, H), lambda e, *_: (e, 0, 0)),
            pl.BlockSpec((EB, D, H), lambda e, *_: (e, 0, 0)),
            pl.BlockSpec((EB, 1, D), lambda e, *_: (e, 0, 0)),
        ],
        out_specs=pl.BlockSpec((S_PAD, D), lambda e, *_: (0, 0)),
    ),
    out_shape=jax.ShapeDtypeStruct((S_PAD, D), jnp.float32),
    compiler_params=pltpu.CompilerParams(
        dimension_semantics=("arbitrary",),
        vmem_limit_bytes=100 * 1024 * 1024,
    ),
)


def kernel(x, gate_w, w0_w, w0_b, w1_w, w1_b, w2_w, w2_b):
    dispatch, combine = _sc_kernels()
    tokens = x.reshape(S, D)
    pos2d, starts, counts = _gate_call(tokens, gate_w)
    pos = pos2d.reshape(S)
    x_sorted = dispatch(tokens, pos)
    y_sorted = _ffn_call(starts.reshape(E), counts.reshape(E), x_sorted,
                         w0_w, w0_b.reshape(E, 1, H),
                         w1_w, w1_b.reshape(E, 1, H),
                         w2_w, w2_b.reshape(E, 1, D))
    out = combine(y_sorted, pos)
    return out.reshape(x.shape)

# --- scband reference (transcript-rebuilt; emitter-appended) ---
"""Pipeline reference for scband-expert-10153302688477 (READ-ONLY COPY).

The authoritative reference and input builder live on the scoring server;
editing this copy changes nothing except your own understanding.
"""

import jax, jax.numpy as jnp
import numpy as np

E = 64
TOPK = 1
D = 768
H = 2048
B = 1
S = 2048


def setup_inputs(seed: int = 0) -> dict:
    key = jax.random.key(seed)
    ks = jax.random.split(key, 10)
    x = jax.random.normal(ks[0], (B, S, D), dtype=jnp.float32)
    gate_w = jax.random.normal(ks[1], (E, D), dtype=jnp.float32) * (D ** -0.5)
    w0_w = jax.random.normal(ks[2], (E, H, D), dtype=jnp.float32) * (D ** -0.5)
    w0_b = jax.random.normal(ks[3], (E, H), dtype=jnp.float32) * 0.01
    w1_w = jax.random.normal(ks[4], (E, H, D), dtype=jnp.float32) * (D ** -0.5)
    w1_b = jax.random.normal(ks[5], (E, H), dtype=jnp.float32) * 0.01
    w2_w = jax.random.normal(ks[6], (E, D, H), dtype=jnp.float32) * (H ** -0.5)
    w2_b = jax.random.normal(ks[7], (E, D), dtype=jnp.float32) * 0.01
    return {"x": x, "gate_w": gate_w, "w0_w": w0_w, "w0_b": w0_b,
            "w1_w": w1_w, "w1_b": w1_b, "w2_w": w2_w, "w2_b": w2_b}


def reference(x, gate_w, w0_w, w0_b, w1_w, w1_b, w2_w, w2_b):
    tokens = x.reshape(-1, x.shape[-1])
    gate_logits = tokens @ gate_w.T
    gvals, sel = jax.lax.top_k(gate_logits, TOPK)
    weights = jax.nn.softmax(gvals, axis=-1)
    results = jnp.zeros_like(tokens)

    def body(acc, params):
        i, w0w, w0b, w1w, w1b, w2w, w2b = params
        h = tokens @ w0w.T + w0b
        g = jax.nn.silu(tokens @ w1w.T + w1b)
        out = (h * g) @ w2w.T + w2b
        wsel = jnp.where(sel == i, weights, jnp.zeros_like(weights)).sum(axis=-1)
        return acc + wsel[:, None] * out, None

    idx = jnp.arange(E, dtype=sel.dtype)
    results, _ = jax.lax.scan(
        body, results, (idx, w0_w, w0_b, w1_w, w1_b, w2_w, w2_b))
    return results.reshape(x.shape)

if __name__ == "__main__":
    import jax
    _d = setup_inputs()
    print(jax.jit(kernel)(*tuple(_d.values())))

</pallas_src>

<mosaic_0001>
#map = affine_map<(d0, d1) -> (0, 0)>
#map1 = affine_map<(d0, d1) -> (0)>
module attributes {stable_mosaic.version = 14 : i64} {
  func.func @dispatch(%arg0: i32, %arg1: i32, %arg2: memref<2048x768xf32, #tpu.memory_space<hbm>>, %arg3: memref<2048xi32, #tpu.memory_space<hbm>>, %arg4: memref<2560x768xf32, #tpu.memory_space<hbm>>, %arg5: memref<64xi32, #tpu.memory_space<vmem>>, %arg6: memref<64x768xf32, #tpu.memory_space<vmem>>, %arg7: memref<!tpu.dma_semaphore, #tpu.memory_space<semaphore_mem>>) attributes {dimension_semantics = [#tpu.dimension_semantics<core_parallel>, #tpu.dimension_semantics<subcore_parallel>], iteration_bounds = array<i64: 2, 16>, scalar_prefetch = 0 : i64, scratch_operands = 3 : i64, tpu.core_type = #tpu.core_type<sc_vector_subcore>, window_params = [{transform_indices = #map}, {transform_indices = #map1}, {transform_indices = #map}]} {
    %mul3A = arith.constant 2 : i32
    %mul3A_0 = arith.muli %arg1, %mul3A : i32
    %add3A = arith.addi %mul3A_0, %arg0 : i32
    %mul3A_1 = arith.constant 64 : i32
    %mul3A_2 = arith.muli %add3A, %mul3A_1 : i32
    "tpu.region"() ({
      %run_scoped3A = tpu.sem_alloc : memref<!tpu.dma_semaphore, #tpu.memory_space<semaphore_mem>>
      %dma_start3A_7 = tpu.memref_slice %arg3[%mul3A_2] : memref<2048xi32, #tpu.memory_space<hbm>> -> memref<64xi32, #tpu.memory_space<hbm>>
      %dma_start3A_8 = tpu.memref_slice %arg3[%mul3A_2] : memref<2048xi32, #tpu.memory_space<hbm>> -> memref<64xi32, #tpu.memory_space<hbm>>
      tpu.enqueue_dma source(%dma_start3A_8 : memref<64xi32, #tpu.memory_space<hbm>>) target(%arg5 : memref<64xi32, #tpu.memory_space<vmem>>) target_semaphore(%run_scoped3A : memref<!tpu.dma_semaphore, #tpu.memory_space<semaphore_mem>>)
      %dma_wait3A_9 = tpu.memref_slice %arg3[%mul3A_2] : memref<2048xi32, #tpu.memory_space<hbm>> -> memref<64xi32, #tpu.memory_space<hbm>>
      %dma_wait3A_10 = tpu.memref_slice %arg3[%mul3A_2] : memref<2048xi32, #tpu.memory_space<hbm>> -> memref<64xi32, #tpu.memory_space<hbm>>
      tpu.wait_dma2 semaphore(%run_scoped3A : memref<!tpu.dma_semaphore, #tpu.memory_space<semaphore_mem>>) src(%dma_wait3A_10 : memref<64xi32, #tpu.memory_space<hbm>>) dst(%arg5 : memref<64xi32, #tpu.memory_space<vmem>>)
      tpu.yield
    }) : () -> ()
    "tpu.region"() ({
      %run_scoped3A = tpu.sem_alloc : memref<!tpu.dma_semaphore, #tpu.memory_space<semaphore_mem>>
      %dma_start3A_7 = arith.constant 0 : i32
      %dma_start3A_8 = tpu.memref_slice %arg2[%mul3A_2, %dma_start3A_7] : memref<2048x768xf32, #tpu.memory_space<hbm>> -> memref<64x768xf32, #tpu.memory_space<hbm>>
      %dma_start3A_9 = arith.constant 0 : i32
      %dma_start3A_10 = tpu.memref_slice %arg2[%mul3A_2, %dma_start3A_9] : memref<2048x768xf32, #tpu.memory_space<hbm>> -> memref<64x768xf32, #tpu.memory_space<hbm>>
      tpu.enqueue_dma source(%dma_start3A_10 : memref<64x768xf32, #tpu.memory_space<hbm>>) target(%arg6 : memref<64x768xf32, #tpu.memory_space<vmem>>) target_semaphore(%run_scoped3A : memref<!tpu.dma_semaphore, #tpu.memory_space<semaphore_mem>>)
      %dma_wait3A_11 = arith.constant 0 : i32
      %dma_wait3A_12 = tpu.memref_slice %arg2[%mul3A_2, %dma_wait3A_11] : memref<2048x768xf32, #tpu.memory_space<hbm>> -> memref<64x768xf32, #tpu.memory_space<hbm>>
      %dma_wait3A_13 = arith.constant 0 : i32
      %dma_wait3A_14 = tpu.memref_slice %arg2[%mul3A_2, %dma_wait3A_13] : memref<2048x768xf32, #tpu.memory_space<hbm>> -> memref<64x768xf32, #tpu.memory_space<hbm>>
      tpu.wait_dma2 semaphore(%run_scoped3A : memref<!tpu.dma_semaphore, #tpu.memory_space<semaphore_mem>>) src(%dma_wait3A_14 : memref<64x768xf32, #tpu.memory_space<hbm>>) dst(%arg6 : memref<64x768xf32, #tpu.memory_space<vmem>>)
      tpu.yield
    }) : () -> ()
    %dma_start3A = arith.constant 0 : i32
    %dma_start3A_3 = arith.constant 0 : i32
    %dma_start3A_4 = tpu.memref_slice %arg4[%dma_start3A, %dma_start3A_3] : memref<2560x768xf32, #tpu.memory_space<hbm>> -> memref<2560x768xf32, #tpu.memory_space<hbm>>
    tpu.enqueue_indirect_dma source(%arg6 : memref<64x768xf32, #tpu.memory_space<vmem>>) target(%dma_start3A_4 : memref<2560x768xf32, #tpu.memory_space<hbm>>) offsets(%arg5 : memref<64xi32, #tpu.memory_space<vmem>>) semaphore(%arg7 : memref<!tpu.dma_semaphore, #tpu.memory_space<semaphore_mem>>)
    %dma_wait3A = arith.constant 0 : i32
    %dma_wait3A_5 = arith.constant 0 : i32
    %dma_wait3A_6 = tpu.memref_slice %arg4[%dma_wait3A, %dma_wait3A_5] : memref<2560x768xf32, #tpu.memory_space<hbm>> -> memref<2560x768xf32, #tpu.memory_space<hbm>>
    tpu.wait_indirect_dma semaphore(%arg7 : memref<!tpu.dma_semaphore, #tpu.memory_space<semaphore_mem>>) src(%arg6 : memref<64x768xf32, #tpu.memory_space<vmem>>) dst(%dma_wait3A_6 : memref<2560x768xf32, #tpu.memory_space<hbm>>)
    return
  }
}

#map = affine_map<(d0, d1) -> (0, 0)>
#map1 = affine_map<(d0, d1) -> (0)>
module attributes {stable_mosaic.version = 14 : i64} {
  func.func @combine(%arg0: i32, %arg1: i32, %arg2: memref<2560x768xf32, #tpu.memory_space<hbm>>, %arg3: memref<2048xi32, #tpu.memory_space<hbm>>, %arg4: memref<2048x768xf32, #tpu.memory_space<hbm>>, %arg5: memref<64xi32, #tpu.memory_space<vmem>>, %arg6: memref<64x768xf32, #tpu.memory_space<vmem>>, %arg7: memref<!tpu.dma_semaphore, #tpu.memory_space<semaphore_mem>>) attributes {dimension_semantics = [#tpu.dimension_semantics<core_parallel>, #tpu.dimension_semantics<subcore_parallel>], iteration_bounds = array<i64: 2, 16>, scalar_prefetch = 0 : i64, scratch_operands = 3 : i64, tpu.core_type = #tpu.core_type<sc_vector_subcore>, window_params = [{transform_indices = #map}, {transform_indices = #map1}, {transform_indices = #map}]} {
    %mul3A = arith.constant 2 : i32
    %mul3A_0 = arith.muli %arg1, %mul3A : i32
    %add3A = arith.addi %mul3A_0, %arg0 : i32
    %mul3A_1 = arith.constant 64 : i32
    %mul3A_2 = arith.muli %add3A, %mul3A_1 : i32
    "tpu.region"() ({
      %run_scoped3A = tpu.sem_alloc : memref<!tpu.dma_semaphore, #tpu.memory_space<semaphore_mem>>
      %dma_start3A_7 = tpu.memref_slice %arg3[%mul3A_2] : memref<2048xi32, #tpu.memory_space<hbm>> -> memref<64xi32, #tpu.memory_space<hbm>>
      %dma_start3A_8 = tpu.memref_slice %arg3[%mul3A_2] : memref<2048xi32, #tpu.memory_space<hbm>> -> memref<64xi32, #tpu.memory_space<hbm>>
      tpu.enqueue_dma source(%dma_start3A_8 : memref<64xi32, #tpu.memory_space<hbm>>) target(%arg5 : memref<64xi32, #tpu.memory_space<vmem>>) target_semaphore(%run_scoped3A : memref<!tpu.dma_semaphore, #tpu.memory_space<semaphore_mem>>)
      %dma_wait3A_9 = tpu.memref_slice %arg3[%mul3A_2] : memref<2048xi32, #tpu.memory_space<hbm>> -> memref<64xi32, #tpu.memory_space<hbm>>
      %dma_wait3A_10 = tpu.memref_slice %arg3[%mul3A_2] : memref<2048xi32, #tpu.memory_space<hbm>> -> memref<64xi32, #tpu.memory_space<hbm>>
      tpu.wait_dma2 semaphore(%run_scoped3A : memref<!tpu.dma_semaphore, #tpu.memory_space<semaphore_mem>>) src(%dma_wait3A_10 : memref<64xi32, #tpu.memory_space<hbm>>) dst(%arg5 : memref<64xi32, #tpu.memory_space<vmem>>)
      tpu.yield
    }) : () -> ()
    %dma_start3A = arith.constant 0 : i32
    %dma_start3A_3 = arith.constant 0 : i32
    %dma_start3A_4 = tpu.memref_slice %arg2[%dma_start3A, %dma_start3A_3] : memref<2560x768xf32, #tpu.memory_space<hbm>> -> memref<2560x768xf32, #tpu.memory_space<hbm>>
    tpu.enqueue_indirect_dma source(%dma_start3A_4 : memref<2560x768xf32, #tpu.memory_space<hbm>>) target(%arg6 : memref<64x768xf32, #tpu.memory_space<vmem>>) offsets(%arg5 : memref<64xi32, #tpu.memory_space<vmem>>) semaphore(%arg7 : memref<!tpu.dma_semaphore, #tpu.memory_space<semaphore_mem>>)
    %dma_wait3A = arith.constant 0 : i32
    %dma_wait3A_5 = arith.constant 0 : i32
    %dma_wait3A_6 = tpu.memref_slice %arg2[%dma_wait3A, %dma_wait3A_5] : memref<2560x768xf32, #tpu.memory_space<hbm>> -> memref<2560x768xf32, #tpu.memory_space<hbm>>
    tpu.wait_indirect_dma semaphore(%arg7 : memref<!tpu.dma_semaphore, #tpu.memory_space<semaphore_mem>>) src(%dma_wait3A_6 : memref<2560x768xf32, #tpu.memory_space<hbm>>) dst(%arg6 : memref<64x768xf32, #tpu.memory_space<vmem>>)
    "tpu.region"() ({
      %run_scoped3A = tpu.sem_alloc : memref<!tpu.dma_semaphore, #tpu.memory_space<semaphore_mem>>
      %dma_start3A_7 = arith.constant 0 : i32
      %dma_start3A_8 = tpu.memref_slice %arg4[%mul3A_2, %dma_start3A_7] : memref<2048x768xf32, #tpu.memory_space<hbm>> -> memref<64x768xf32, #tpu.memory_space<hbm>>
      %dma_start3A_9 = arith.constant 0 : i32
      %dma_start3A_10 = tpu.memref_slice %arg4[%mul3A_2, %dma_start3A_9] : memref<2048x768xf32, #tpu.memory_space<hbm>> -> memref<64x768xf32, #tpu.memory_space<hbm>>
      tpu.enqueue_dma source(%arg6 : memref<64x768xf32, #tpu.memory_space<vmem>>) target(%dma_start3A_10 : memref<64x768xf32, #tpu.memory_space<hbm>>) target_semaphore(%run_scoped3A : memref<!tpu.dma_semaphore, #tpu.memory_space<semaphore_mem>>)
      %dma_wait3A_11 = arith.constant 0 : i32
      %dma_wait3A_12 = tpu.memref_slice %arg4[%mul3A_2, %dma_wait3A_11] : memref<2048x768xf32, #tpu.memory_space<hbm>> -> memref<64x768xf32, #tpu.memory_space<hbm>>
      %dma_wait3A_13 = arith.constant 0 : i32
      %dma_wait3A_14 = tpu.memref_slice %arg4[%mul3A_2, %dma_wait3A_13] : memref<2048x768xf32, #tpu.memory_space<hbm>> -> memref<64x768xf32, #tpu.memory_space<hbm>>
      tpu.wait_dma2 semaphore(%run_scoped3A : memref<!tpu.dma_semaphore, #tpu.memory_space<semaphore_mem>>) src(%arg6 : memref<64x768xf32, #tpu.memory_space<vmem>>) dst(%dma_wait3A_14 : memref<64x768xf32, #tpu.memory_space<hbm>>)
      tpu.yield
    }) : () -> ()
    return
  }
}

module attributes {stable_mosaic.version = 14 : i64} {
  func.func @_gate_body(%arg0: memref<2048x768xf32, #tpu.memory_space<vmem>>, %arg1: memref<64x768xf32, #tpu.memory_space<vmem>>, %arg2: memref<2048x1xi32, #tpu.memory_space<vmem>>, %arg3: memref<1x64xi32, #tpu.memory_space<vmem>>, %arg4: memref<1x64xi32, #tpu.memory_space<vmem>>) attributes {dimension_semantics = [], scalar_prefetch = 0 : i64, scratch_operands = 0 : i64, tpu.core_type = #tpu.core_type<tc>} {
    %get3A = arith.constant 0 : index
    %get3A_0 = arith.constant 0 : index
    %get3A_1 = vector.load %arg0[%get3A, %get3A_0] : memref<2048x768xf32, #tpu.memory_space<vmem>>, vector<2048x768xf32>
    %get3A_2 = arith.constant 0 : index
    %get3A_3 = arith.constant 0 : index
    %get3A_4 = vector.load %arg1[%get3A_2, %get3A_3] : memref<64x768xf32, #tpu.memory_space<vmem>>, vector<64x768xf32>
    %dot_general3A = arith.constant dense<0.000000e+00> : vector<2048x64xf32>
    %dot_general3A_5 = tpu.matmul %get3A_1, %get3A_4, %dot_general3A {dimension_numbers = #tpu.dot_dimension_numbers<[1], [1], [0], [0], [0, 0, 1, 0], [], []>, transpose_lhs_hint = false} : vector<2048x768xf32>, vector<64x768xf32>, vector<2048x64xf32> -> vector<2048x64xf32>
    %reduce_max3A = arith.constant dense<0xFF800000> : vector<2048xf32>
    %reduce_max3A_6 = vector.multi_reduction <maximumf>, %dot_general3A_5, %reduce_max3A [1] : vector<2048x64xf32> to vector<2048xf32>
    %broadcast_in_dim3A = vector.shape_cast %reduce_max3A_6 : vector<2048xf32> to vector<2048x1xf32>
    %iota3A = tpu.iota {dimensions = array<i32: 1>} : vector<2048x64xi32>
    %ge3A = vector.broadcast %broadcast_in_dim3A : vector<2048x1xf32> to vector<2048x64xf32>
    %ge3A_7 = arith.cmpf oge, %dot_general3A_5, %ge3A : vector<2048x64xf32>
    %jit3A = arith.constant 64 : i32
    %broadcast_in_dim3A_8 = vector.broadcast %jit3A : i32 to vector<2048x64xi32>
    %select_n3A = arith.select %ge3A_7, %iota3A, %broadcast_in_dim3A_8 : vector<2048x64xi1>, vector<2048x64xi32>
    %reduce_min3A = arith.constant dense<2147483647> : vector<2048xi32>
    %reduce_min3A_9 = vector.multi_reduction <minsi>, %select_n3A, %reduce_min3A [1] : vector<2048x64xi32> to vector<2048xi32>
    %broadcast_in_dim3A_10 = vector.shape_cast %reduce_min3A_9 : vector<2048xi32> to vector<2048x1xi32>
    %eq3A = vector.broadcast %broadcast_in_dim3A_10 : vector<2048x1xi32> to vector<2048x64xi32>
    %eq3A_11 = arith.cmpi eq, %iota3A, %eq3A : vector<2048x64xi32>
    %convert_element_type3A = arith.extui %eq3A_11 : vector<2048x64xi1> to vector<2048x64xi32>
    %convert_element_type3A_12 = arith.sitofp %convert_element_type3A : vector<2048x64xi32> to vector<2048x64xf32>
    %iota3A_13 = tpu.iota {dimensions = array<i32: 0>} : vector<128x128xi32>
    %iota3A_14 = tpu.iota {dimensions = array<i32: 1>} : vector<128x128xi32>
    %lt3A = arith.cmpi slt, %iota3A_14, %iota3A_13 : vector<128x128xi32>
    %convert_element_type3A_15 = arith.extui %lt3A : vector<128x128xi1> to vector<128x128xi32>
    %convert_element_type3A_16 = arith.sitofp %convert_element_type3A_15 : vector<128x128xi32> to vector<128x128xf32>
    %slice3A = vector.extract_strided_slice %convert_element_type3A_12 {offsets = [0, 0], sizes = [128, 64], strides = [1, 1]} : vector<2048x64xf32> to vector<128x64xf32>
    %dot_general3A_17 = arith.constant dense<0.000000e+00> : vector<128x64xf32>
    %dot_general3A_18 = tpu.matmul %convert_element_type3A_16, %slice3A, %dot_general3A_17 {dimension_numbers = #tpu.dot_dimension_numbers<[1], [0], [0], [1], [0, 0, 1, 1], [], []>, transpose_lhs_hint = false} : vector<128x128xf32>, vector<128x64xf32>, vector<128x64xf32> -> vector<128x64xf32>
    %mul3A = arith.mulf %dot_general3A_18, %slice3A : vector<128x64xf32>
    %reduce_sum3A = arith.constant dense<0.000000e+00> : vector<128xf32>
    %reduce_sum3A_19 = vector.multi_reduction <add>, %mul3A, %reduce_sum3A [1] : vector<128x64xf32> to vector<128xf32>
    %broadcast_in_dim3A_20 = vector.shape_cast %reduce_sum3A_19 : vector<128xf32> to vector<128x1xf32>
    %reduce_sum3A_21 = arith.constant dense<0.000000e+00> : vector<64xf32>
    %reduce_sum3A_22 = vector.multi_reduction <add>, %slice3A, %reduce_sum3A_21 [0] : vector<128x64xf32> to vector<64xf32>
    %broadcast_in_dim3A_23 = vector.shape_cast %reduce_sum3A_22 : vector<64xf32> to vector<1x64xf32>
    %slice3A_24 = vector.extract_strided_slice %convert_element_type3A_12 {offsets = [128, 0], sizes = [128, 64], strides = [1, 1]} : vector<2048x64xf32> to vector<128x64xf32>
    %dot_general3A_25 = arith.constant dense<0.000000e+00> : vector<128x64xf32>
    %dot_general3A_26 = tpu.matmul %convert_element_type3A_16, %slice3A_24, %dot_general3A_25 {dimension_numbers = #tpu.dot_dimension_numbers<[1], [0], [0], [1], [0, 0, 1, 1], [], []>, transpose_lhs_hint = false} : vector<128x128xf32>, vector<128x64xf32>, vector<128x64xf32> -> vector<128x64xf32>
    %mul3A_27 = arith.mulf %dot_general3A_26, %slice3A_24 : vector<128x64xf32>
    %reduce_sum3A_28 = arith.constant dense<0.000000e+00> : vector<128xf32>
    %reduce_sum3A_29 = vector.multi_reduction <add>, %mul3A_27, %reduce_sum3A_28 [1] : vector<128x64xf32> to vector<128xf32>
    %broadcast_in_dim3A_30 = vector.shape_cast %reduce_sum3A_29 : vector<128xf32> to vector<128x1xf32>
    %reduce_sum3A_31 = arith.constant dense<0.000000e+00> : vector<64xf32>
    %reduce_sum3A_32 = vector.multi_reduction <add>, %slice3A_24, %reduce_sum3A_31 [0] : vector<128x64xf32> to vector<64xf32>
    %broadcast_in_dim3A_33 = vector.shape_cast %reduce_sum3A_32 : vector<64xf32> to vector<1x64xf32>
    %slice3A_34 = vector.extract_strided_slice %convert_element_type3A_12 {offsets = [256, 0], sizes = [128, 64], strides = [1, 1]} : vector<2048x64xf32> to vector<128x64xf32>
    %dot_general3A_35 = arith.constant dense<0.000000e+00> : vector<128x64xf32>
    %dot_general3A_36 = tpu.matmul %convert_element_type3A_16, %slice3A_34, %dot_general3A_35 {dimension_numbers = #tpu.dot_dimension_numbers<[1], [0], [0], [1], [0, 0, 1, 1], [], []>, transpose_lhs_hint = false} : vector<128x128xf32>, vector<128x64xf32>, vector<128x64xf32> -> vector<128x64xf32>
    %mul3A_37 = arith.mulf %dot_general3A_36, %slice3A_34 : vector<128x64xf32>
    %reduce_sum3A_38 = arith.constant dense<0.000000e+00> : vector<128xf32>
    %reduce_sum3A_39 = vector.multi_reduction <add>, %mul3A_37, %reduce_sum3A_38 [1] : vector<128x64xf32> to vector<128xf32>
    %broadcast_in_dim3A_40 = vector.shape_cast %reduce_sum3A_39 : vector<128xf32> to vector<128x1xf32>
    %reduce_sum3A_41 = arith.constant dense<0.000000e+00> : vector<64xf32>
    %reduce_sum3A_42 = vector.multi_reduction <add>, %slice3A_34, %reduce_sum3A_41 [0] : vector<128x64xf32> to vector<64xf32>
    %broadcast_in_dim3A_43 = vector.shape_cast %reduce_sum3A_42 : vector<64xf32> to vector<1x64xf32>
    %slice3A_44 = vector.extract_strided_slice %convert_element_type3A_12 {offsets = [384, 0], sizes = [128, 64], strides = [1, 1]} : vector<2048x64xf32> to vector<128x64xf32>
    %dot_general3A_45 = arith.constant dense<0.000000e+00> : vector<128x64xf32>
    %dot_general3A_46 = tpu.matmul %convert_element_type3A_16, %slice3A_44, %dot_general3A_45 {dimension_numbers = #tpu.dot_dimension_numbers<[1], [0], [0], [1], [0, 0, 1, 1], [], []>, transpose_lhs_hint = false} : vector<128x128xf32>, vector<128x64xf32>, vector<128x64xf32> -> vector<128x64xf32>
    %mul3A_47 = arith.mulf %dot_general3A_46, %slice3A_44 : vector<128x64xf32>
    %reduce_sum3A_48 = arith.constant dense<0.000000e+00> : vector<128xf32>
    %reduce_sum3A_49 = vector.multi_reduction <add>, %mul3A_47, %reduce_sum3A_48 [1] : vector<128x64xf32> to vector<128xf32>
    %broadcast_in_dim3A_50 = vector.shape_cast %reduce_sum3A_49 : vector<128xf32> to vector<128x1xf32>
    %reduce_sum3A_51 = arith.constant dense<0.000000e+00> : vector<64xf32>
    %reduce_sum3A_52 = vector.multi_reduction <add>, %slice3A_44, %reduce_sum3A_51 [0] : vector<128x64xf32> to vector<64xf32>
    %broadcast_in_dim3A_53 = vector.shape_cast %reduce_sum3A_52 : vector<64xf32> to vector<1x64xf32>
    %slice3A_54 = vector.extract_strided_slice %convert_element_type3A_12 {offsets = [512, 0], sizes = [128, 64], strides = [1, 1]} : vector<2048x64xf32> to vector<128x64xf32>
    %dot_general3A_55 = arith.constant dense<0.000000e+00> : vector<128x64xf32>
    %dot_general3A_56 = tpu.matmul %convert_element_type3A_16, %slice3A_54, %dot_general3A_55 {dimension_numbers = #tpu.dot_dimension_numbers<[1], [0], [0], [1], [0, 0, 1, 1], [], []>, transpose_lhs_hint = false} : vector<128x128xf32>, vector<128x64xf32>, vector<128x64xf32> -> vector<128x64xf32>
    %mul3A_57 = arith.mulf %dot_general3A_56, %slice3A_54 : vector<128x64xf32>
    %reduce_sum3A_58 = arith.constant dense<0.000000e+00> : vector<128xf32>
    %reduce_sum3A_59 = vector.multi_reduction <add>, %mul3A_57, %reduce_sum3A_58 [1] : vector<128x64xf32> to vector<128xf32>
    %broadcast_in_dim3A_60 = vector.shape_cast %reduce_sum3A_59 : vector<128xf32> to vector<128x1xf32>
    %reduce_sum3A_61 = arith.constant dense<0.000000e+00> : vector<64xf32>
    %reduce_sum3A_62 = vector.multi_reduction <add>, %slice3A_54, %reduce_sum3A_61 [0] : vector<128x64xf32> to vector<64xf32>
    %broadcast_in_dim3A_63 = vector.shape_cast %reduce_sum3A_62 : vector<64xf32> to vector<1x64xf32>
    %slice3A_64 = vector.extract_strided_slice %convert_element_type3A_12 {offsets = [640, 0], sizes = [128, 64], strides = [1, 1]} : vector<2048x64xf32> to vector<128x64xf32>
    %dot_general3A_65 = arith.constant dense<0.000000e+00> : vector<128x64xf32>
    %dot_general3A_66 = tpu.matmul %convert_element_type3A_16, %slice3A_64, %dot_general3A_65 {dimension_numbers = #tpu.dot_dimension_numbers<[1], [0], [0], [1], [0, 0, 1, 1], [], []>, transpose_lhs_hint = false} : vector<128x128xf32>, vector<128x64xf32>, vector<128x64xf32> -> vector<128x64xf32>
    %mul3A_67 = arith.mulf %dot_general3A_66, %slice3A_64 : vector<128x64xf32>
    %reduce_sum3A_68 = arith.constant dense<0.000000e+00> : vector<128xf32>
    %reduce_sum3A_69 = vector.multi_reduction <add>, %mul3A_67, %reduce_sum3A_68 [1] : vector<128x64xf32> to vector<128xf32>
    %broadcast_in_dim3A_70 = vector.shape_cast %reduce_sum3A_69 : vector<128xf32> to vector<128x1xf32>
    %reduce_sum3A_71 = arith.constant dense<0.000000e+00> : vector<64xf32>
    %reduce_sum3A_72 = vector.multi_reduction <add>, %slice3A_64, %reduce_sum3A_71 [0] : vector<128x64xf32> to vector<64xf32>
    %broadcast_in_dim3A_73 = vector.shape_cast %reduce_sum3A_72 : vector<64xf32> to vector<1x64xf32>
    %slice3A_74 = vector.extract_strided_slice %convert_element_type3A_12 {offsets = [768, 0], sizes = [128, 64], strides = [1, 1]} : vector<2048x64xf32> to vector<128x64xf32>
    %dot_general3A_75 = arith.constant dense<0.000000e+00> : vector<128x64xf32>
    %dot_general3A_76 = tpu.matmul %convert_element_type3A_16, %slice3A_74, %dot_general3A_75 {dimension_numbers = #tpu.dot_dimension_numbers<[1], [0], [0], [1], [0, 0, 1, 1], [], []>, transpose_lhs_hint = false} : vector<128x128xf32>, vector<128x64xf32>, vector<128x64xf32> -> vector<128x64xf32>
    %mul3A_77 = arith.mulf %dot_general3A_76, %slice3A_74 : vector<128x64xf32>
    %reduce_sum3A_78 = arith.constant dense<0.000000e+00> : vector<128xf32>
    %reduce_sum3A_79 = vector.multi_reduction <add>, %mul3A_77, %reduce_sum3A_78 [1] : vector<128x64xf32> to vector<128xf32>
    %broadcast_in_dim3A_80 = vector.shape_cast %reduce_sum3A_79 : vector<128xf32> to vector<128x1xf32>
    %reduce_sum3A_81 = arith.constant dense<0.000000e+00> : vector<64xf32>
    %reduce_sum3A_82 = vector.multi_reduction <add>, %slice3A_74, %reduce_sum3A_81 [0] : vector<128x64xf32> to vector<64xf32>
    %broadcast_in_dim3A_83 = vector.shape_cast %reduce_sum3A_82 : vector<64xf32> to vector<1x64xf32>
    %slice3A_84 = vector.extract_strided_slice %convert_element_type3A_12 {offsets = [896, 0], sizes = [128, 64], strides = [1, 1]} : vector<2048x64xf32> to vector<128x64xf32>
    %dot_general3A_85 = arith.constant dense<0.000000e+00> : vector<128x64xf32>
    %dot_general3A_86 = tpu.matmul %convert_element_type3A_16, %slice3A_84, %dot_general3A_85 {dimension_numbers = #tpu.dot_dimension_numbers<[1], [0], [0], [1], [0, 0, 1, 1], [], []>, transpose_lhs_hint = false} : vector<128x128xf32>, vector<128x64xf32>, vector<128x64xf32> -> vector<128x64xf32>
    %mul3A_87 = arith.mulf %dot_general3A_86, %slice3A_84 : vector<128x64xf32>
    %reduce_sum3A_88 = arith.constant dense<0.000000e+00> : vector<128xf32>
    %reduce_sum3A_89 = vector.multi_reduction <add>, %mul3A_87, %reduce_sum3A_88 [1] : vector<128x64xf32> to vector<128xf32>
    %broadcast_in_dim3A_90 = vector.shape_cast %reduce_sum3A_89 : vector<128xf32> to vector<128x1xf32>
    %reduce_sum3A_91 = arith.constant dense<0.000000e+00> : vector<64xf32>
    %reduce_sum3A_92 = vector.multi_reduction <add>, %slice3A_84, %reduce_sum3A_91 [0] : vector<128x64xf32> to vector<64xf32>
    %broadcast_in_dim3A_93 = vector.shape_cast %reduce_sum3A_92 : vector<64xf32> to vector<1x64xf32>
    %slice3A_94 = vector.extract_strided_slice %convert_element_type3A_12 {offsets = [1024, 0], sizes = [128, 64], strides = [1, 1]} : vector<2048x64xf32> to vector<128x64xf32>
    %dot_general3A_95 = arith.constant dense<0.000000e+00> : vector<128x64xf32>
    %dot_general3A_96 = tpu.matmul %convert_element_type3A_16, %slice3A_94, %dot_general3A_95 {dimension_numbers = #tpu.dot_dimension_numbers<[1], [0], [0], [1], [0, 0, 1, 1], [], []>, transpose_lhs_hint = false} : vector<128x128xf32>, vector<128x64xf32>, vector<128x64xf32> -> vector<128x64xf32>
    %mul3A_97 = arith.mulf %dot_general3A_96, %slice3A_94 : vector<128x64xf32>
    %reduce_sum3A_98 = arith.constant dense<0.000000e+00> : vector<128xf32>
    %reduce_sum3A_99 = vector.multi_reduction <add>, %mul3A_97, %reduce_sum3A_98 [1] : vector<128x64xf32> to vector<128xf32>
    %broadcast_in_dim3A_100 = vector.shape_cast %reduce_sum3A_99 : vector<128xf32> to vector<128x1xf32>
    %reduce_sum3A_101 = arith.constant dense<0.000000e+00> : vector<64xf32>
    %reduce_sum3A_102 = vector.multi_reduction <add>, %slice3A_94, %reduce_sum3A_101 [0] : vector<128x64xf32> to vector<64xf32>
    %broadcast_in_dim3A_103 = vector.shape_cast %reduce_sum3A_102 : vector<64xf32> to vector<1x64xf32>
    %slice3A_104 = vector.extract_strided_slice %convert_element_type3A_12 {offsets = [1152, 0], sizes = [128, 64], strides = [1, 1]} : vector<2048x64xf32> to vector<128x64xf32>
    %dot_general3A_105 = arith.constant dense<0.000000e+00> : vector<128x64xf32>
    %dot_general3A_106 = tpu.matmul %convert_element_type3A_16, %slice3A_104, %dot_general3A_105 {dimension_numbers = #tpu.dot_dimension_numbers<[1], [0], [0], [1], [0, 0, 1, 1], [], []>, transpose_lhs_hint = false} : vector<128x128xf32>, vector<128x64xf32>, vector<128x64xf32> -> vector<128x64xf32>
    %mul3A_107 = arith.mulf %dot_general3A_106, %slice3A_104 : vector<128x64xf32>
    %reduce_sum3A_108 = arith.constant dense<0.000000e+00> : vector<128xf32>
    %reduce_sum3A_109 = vector.multi_reduction <add>, %mul3A_107, %reduce_sum3A_108 [1] : vector<128x64xf32> to vector<128xf32>
    %broadcast_in_dim3A_110 = vector.shape_cast %reduce_sum3A_109 : vector<128xf32> to vector<128x1xf32>
    %reduce_sum3A_111 = arith.constant dense<0.000000e+00> : vector<64xf32>
    %reduce_sum3A_112 = vector.multi_reduction <add>, %slice3A_104, %reduce_sum3A_111 [0] : vector<128x64xf32> to vector<64xf32>
    %broadcast_in_dim3A_113 = vector.shape_cast %reduce_sum3A_112 : vector<64xf32> to vector<1x64xf32>
    %slice3A_114 = vector.extract_strided_slice %convert_element_type3A_12 {offsets = [1280, 0], sizes = [128, 64], strides = [1, 1]} : vector<2048x64xf32> to vector<128x64xf32>
    %dot_general3A_115 = arith.constant dense<0.000000e+00> : vector<128x64xf32>
    %dot_general3A_116 = tpu.matmul %convert_element_type3A_16, %slice3A_114, %dot_general3A_115 {dimension_numbers = #tpu.dot_dimension_numbers<[1], [0], [0], [1], [0, 0, 1, 1], [], []>, transpose_lhs_hint = false} : vector<128x128xf32>, vector<128x64xf32>, vector<128x64xf32> -> vector<128x64xf32>
    %mul3A_117 = arith.mulf %dot_general3A_116, %slice3A_114 : vector<128x64xf32>
    %reduce_sum3A_118 = arith.constant dense<0.000000e+00> : vector<128xf32>
    %reduce_sum3A_119 = vector.multi_reduction <add>, %mul3A_117, %reduce_sum3A_118 [1] : vector<128x64xf32> to vector<128xf32>
    %broadcast_in_dim3A_120 = vector.shape_cast %reduce_sum3A_119 : vector<128xf32> to vector<128x1xf32>
    %reduce_sum3A_121 = arith.constant dense<0.000000e+00> : vector<64xf32>
    %reduce_sum3A_122 = vector.multi_reduction <add>, %slice3A_114, %reduce_sum3A_121 [0] : vector<128x64xf32> to vector<64xf32>
    %broadcast_in_dim3A_123 = vector.shape_cast %reduce_sum3A_122 : vector<64xf32> to vector<1x64xf32>
    %slice3A_124 = vector.extract_strided_slice %convert_element_type3A_12 {offsets = [1408, 0], sizes = [128, 64], strides = [1, 1]} : vector<2048x64xf32> to vector<128x64xf32>
    %dot_general3A_125 = arith.constant dense<0.000000e+00> : vector<128x64xf32>
    %dot_general3A_126 = tpu.matmul %convert_element_type3A_16, %slice3A_124, %dot_general3A_125 {dimension_numbers = #tpu.dot_dimension_numbers<[1], [0], [0], [1], [0, 0, 1, 1], [], []>, transpose_lhs_hint = false} : vector<128x128xf32>, vector<128x64xf32>, vector<128x64xf32> -> vector<128x64xf32>
    %mul3A_127 = arith.mulf %dot_general3A_126, %slice3A_124 : vector<128x64xf32>
    %reduce_sum3A_128 = arith.constant dense<0.000000e+00> : vector<128xf32>
    %reduce_sum3A_129 = vector.multi_reduction <add>, %mul3A_127, %reduce_sum3A_128 [1] : vector<128x64xf32> to vector<128xf32>
    %broadcast_in_dim3A_130 = vector.shape_cast %reduce_sum3A_129 : vector<128xf32> to vector<128x1xf32>
    %reduce_sum3A_131 = arith.constant dense<0.000000e+00> : vector<64xf32>
    %reduce_sum3A_132 = vector.multi_reduction <add>, %slice3A_124, %reduce_sum3A_131 [0] : vector<128x64xf32> to vector<64xf32>
    %broadcast_in_dim3A_133 = vector.shape_cast %reduce_sum3A_132 : vector<64xf32> to vector<1x64xf32>
    %slice3A_134 = vector.extract_strided_slice %convert_element_type3A_12 {offsets = [1536, 0], sizes = [128, 64], strides = [1, 1]} : vector<2048x64xf32> to vector<128x64xf32>
    %dot_general3A_135 = arith.constant dense<0.000000e+00> : vector<128x64xf32>
    %dot_general3A_136 = tpu.matmul %convert_element_type3A_16, %slice3A_134, %dot_general3A_135 {dimension_numbers = #tpu.dot_dimension_numbers<[1], [0], [0], [1], [0, 0, 1, 1], [], []>, transpose_lhs_hint = false} : vector<128x128xf32>, vector<128x64xf32>, vector<128x64xf32> -> vector<128x64xf32>
    %mul3A_137 = arith.mulf %dot_general3A_136, %slice3A_134 : vector<128x64xf32>
    %reduce_sum3A_138 = arith.constant dense<0.000000e+00> : vector<128xf32>
    %reduce_sum3A_139 = vector.multi_reduction <add>, %mul3A_137, %reduce_sum3A_138 [1] : vector<128x64xf32> to vector<128xf32>
    %broadcast_in_dim3A_140 = vector.shape_cast %reduce_sum3A_139 : vector<128xf32> to vector<128x1xf32>
    %reduce_sum3A_141 = arith.constant dense<0.000000e+00> : vector<64xf32>
    %reduce_sum3A_142 = vector.multi_reduction <add>, %slice3A_134, %reduce_sum3A_141 [0] : vector<128x64xf32> to vector<64xf32>
    %broadcast_in_dim3A_143 = vector.shape_cast %reduce_sum3A_142 : vector<64xf32> to vector<1x64xf32>
    %slice3A_144 = vector.extract_strided_slice %convert_element_type3A_12 {offsets = [1664, 0], sizes = [128, 64], strides = [1, 1]} : vector<2048x64xf32> to vector<128x64xf32>
    %dot_general3A_145 = arith.constant dense<0.000000e+00> : vector<128x64xf32>
    %dot_general3A_146 = tpu.matmul %convert_element_type3A_16, %slice3A_144, %dot_general3A_145 {dimension_numbers = #tpu.dot_dimension_numbers<[1], [0], [0], [1], [0, 0, 1, 1], [], []>, transpose_lhs_hint = false} : vector<128x128xf32>, vector<128x64xf32>, vector<128x64xf32> -> vector<128x64xf32>
    %mul3A_147 = arith.mulf %dot_general3A_146, %slice3A_144 : vector<128x64xf32>
    %reduce_sum3A_148 = arith.constant dense<0.000000e+00> : vector<128xf32>
    %reduce_sum3A_149 = vector.multi_reduction <add>, %mul3A_147, %reduce_sum3A_148 [1] : vector<128x64xf32> to vector<128xf32>
    %broadcast_in_dim3A_150 = vector.shape_cast %reduce_sum3A_149 : vector<128xf32> to vector<128x1xf32>
    %reduce_sum3A_151 = arith.constant dense<0.000000e+00> : vector<64xf32>
    %reduce_sum3A_152 = vector.multi_reduction <add>, %slice3A_144, %reduce_sum3A_151 [0] : vector<128x64xf32> to vector<64xf32>
    %broadcast_in_dim3A_153 = vector.shape_cast %reduce_sum3A_152 : vector<64xf32> to vector<1x64xf32>
    %slice3A_154 = vector.extract_strided_slice %convert_element_type3A_12 {offsets = [1792, 0], sizes = [128, 64], strides = [1, 1]} : vector<2048x64xf32> to vector<128x64xf32>
    %dot_general3A_155 = arith.constant dense<0.000000e+00> : vector<128x64xf32>
    %dot_general3A_156 = tpu.matmul %convert_element_type3A_16, %slice3A_154, %dot_general3A_155 {dimension_numbers = #tpu.dot_dimension_numbers<[1], [0], [0], [1], [0, 0, 1, 1], [], []>, transpose_lhs_hint = false} : vector<128x128xf32>, vector<128x64xf32>, vector<128x64xf32> -> vector<128x64xf32>
    %mul3A_157 = arith.mulf %dot_general3A_156, %slice3A_154 : vector<128x64xf32>
    %reduce_sum3A_158 = arith.constant dense<0.000000e+00> : vector<128xf32>
    %reduce_sum3A_159 = vector.multi_reduction <add>, %mul3A_157, %reduce_sum3A_158 [1] : vector<128x64xf32> to vector<128xf32>
    %broadcast_in_dim3A_160 = vector.shape_cast %reduce_sum3A_159 : vector<128xf32> to vector<128x1xf32>
    %reduce_sum3A_161 = arith.constant dense<0.000000e+00> : vector<64xf32>
    %reduce_sum3A_162 = vector.multi_reduction <add>, %slice3A_154, %reduce_sum3A_161 [0] : vector<128x64xf32> to vector<64xf32>
    %broadcast_in_dim3A_163 = vector.shape_cast %reduce_sum3A_162 : vector<64xf32> to vector<1x64xf32>
    %slice3A_164 = vector.extract_strided_slice %convert_element_type3A_12 {offsets = [1920, 0], sizes = [128, 64], strides = [1, 1]} : vector<2048x64xf32> to vector<128x64xf32>
    %dot_general3A_165 = arith.constant dense<0.000000e+00> : vector<128x64xf32>
    %dot_general3A_166 = tpu.matmul %convert_element_type3A_16, %slice3A_164, %dot_general3A_165 {dimension_numbers = #tpu.dot_dimension_numbers<[1], [0], [0], [1], [0, 0, 1, 1], [], []>, transpose_lhs_hint = false} : vector<128x128xf32>, vector<128x64xf32>, vector<128x64xf32> -> vector<128x64xf32>
    %mul3A_167 = arith.mulf %dot_general3A_166, %slice3A_164 : vector<128x64xf32>
    %reduce_sum3A_168 = arith.constant dense<0.000000e+00> : vector<128xf32>
    %reduce_sum3A_169 = vector.multi_reduction <add>, %mul3A_167, %reduce_sum3A_168 [1] : vector<128x64xf32> to vector<128xf32>
    %broadcast_in_dim3A_170 = vector.shape_cast %reduce_sum3A_169 : vector<128xf32> to vector<128x1xf32>
    %reduce_sum3A_171 = arith.constant dense<0.000000e+00> : vector<64xf32>
    %reduce_sum3A_172 = vector.multi_reduction <add>, %slice3A_164, %reduce_sum3A_171 [0] : vector<128x64xf32> to vector<64xf32>
    %broadcast_in_dim3A_173 = vector.shape_cast %reduce_sum3A_172 : vector<64xf32> to vector<1x64xf32>
    %concatenate3A = tpu.concatenate %broadcast_in_dim3A_23, %broadcast_in_dim3A_33, %broadcast_in_dim3A_43, %broadcast_in_dim3A_53, %broadcast_in_dim3A_63, %broadcast_in_dim3A_73, %broadcast_in_dim3A_83, %broadcast_in_dim3A_93, %broadcast_in_dim3A_103, %broadcast_in_dim3A_113, %broadcast_in_dim3A_123, %broadcast_in_dim3A_133, %broadcast_in_dim3A_143, %broadcast_in_dim3A_153, %broadcast_in_dim3A_163, %broadcast_in_dim3A_173 in 0 : vector<1x64xf32>, vector<1x64xf32>, vector<1x64xf32>, vector<1x64xf32>, vector<1x64xf32>, vector<1x64xf32>, vector<1x64xf32>, vector<1x64xf32>, vector<1x64xf32>, vector<1x64xf32>, vector<1x64xf32>, vector<1x64xf32>, vector<1x64xf32>, vector<1x64xf32>, vector<1x64xf32>, vector<1x64xf32> -> vector<16x64xf32>
    %iota3A_174 = tpu.iota {dimensions = array<i32: 0>} : vector<16x16xi32>
    %iota3A_175 = tpu.iota {dimensions = array<i32: 1>} : vector<16x16xi32>
    %lt3A_176 = arith.cmpi slt, %iota3A_175, %iota3A_174 : vector<16x16xi32>
    %convert_element_type3A_177 = arith.extui %lt3A_176 : vector<16x16xi1> to vector<16x16xi32>
    %convert_element_type3A_178 = arith.sitofp %convert_element_type3A_177 : vector<16x16xi32> to vector<16x16xf32>
    %dot_general3A_179 = arith.constant dense<0.000000e+00> : vector<16x64xf32>
    %dot_general3A_180 = tpu.matmul %convert_element_type3A_178, %concatenate3A, %dot_general3A_179 {dimension_numbers = #tpu.dot_dimension_numbers<[1], [0], [0], [1], [0, 0, 1, 1], [], []>, transpose_lhs_hint = false} : vector<16x16xf32>, vector<16x64xf32>, vector<16x64xf32> -> vector<16x64xf32>
    %slice3A_181 = vector.extract_strided_slice %convert_element_type3A_12 {offsets = [0, 0], sizes = [128, 64], strides = [1, 1]} : vector<2048x64xf32> to vector<128x64xf32>
    %slice3A_182 = vector.extract_strided_slice %dot_general3A_180 {offsets = [0, 0], sizes = [1, 64], strides = [1, 1]} : vector<16x64xf32> to vector<1x64xf32>
    %mul3A_183 = vector.broadcast %slice3A_182 : vector<1x64xf32> to vector<128x64xf32>
    %mul3A_184 = arith.mulf %slice3A_181, %mul3A_183 : vector<128x64xf32>
    %reduce_sum3A_185 = arith.constant dense<0.000000e+00> : vector<128xf32>
    %reduce_sum3A_186 = vector.multi_reduction <add>, %mul3A_184, %reduce_sum3A_185 [1] : vector<128x64xf32> to vector<128xf32>
    %broadcast_in_dim3A_187 = vector.shape_cast %reduce_sum3A_186 : vector<128xf32> to vector<128x1xf32>
    %add3A = arith.addf %broadcast_in_dim3A_20, %broadcast_in_dim3A_187 : vector<128x1xf32>
    %slice3A_188 = vector.extract_strided_slice %convert_element_type3A_12 {offsets = [128, 0], sizes = [128, 64], strides = [1, 1]} : vector<2048x64xf32> to vector<128x64xf32>
    %slice3A_189 = vector.extract_strided_slice %dot_general3A_180 {offsets = [1, 0], sizes = [1, 64], strides = [1, 1]} : vector<16x64xf32> to vector<1x64xf32>
    %mul3A_190 = vector.broadcast %slice3A_189 : vector<1x64xf32> to vector<128x64xf32>
    %mul3A_191 = arith.mulf %slice3A_188, %mul3A_190 : vector<128x64xf32>
    %reduce_sum3A_192 = arith.constant dense<0.000000e+00> : vector<128xf32>
    %reduce_sum3A_193 = vector.multi_reduction <add>, %mul3A_191, %reduce_sum3A_192 [1] : vector<128x64xf32> to vector<128xf32>
    %broadcast_in_dim3A_194 = vector.shape_cast %reduce_sum3A_193 : vector<128xf32> to vector<128x1xf32>
    %add3A_195 = arith.addf %broadcast_in_dim3A_30, %broadcast_in_dim3A_194 : vector<128x1xf32>
    %slice3A_196 = vector.extract_strided_slice %convert_element_type3A_12 {offsets = [256, 0], sizes = [128, 64], strides = [1, 1]} : vector<2048x64xf32> to vector<128x64xf32>
    %slice3A_197 = vector.extract_strided_slice %dot_general3A_180 {offsets = [2, 0], sizes = [1, 64], strides = [1, 1]} : vector<16x64xf32> to vector<1x64xf32>
    %mul3A_198 = vector.broadcast %slice3A_197 : vector<1x64xf32> to vector<128x64xf32>
    %mul3A_199 = arith.mulf %slice3A_196, %mul3A_198 : vector<128x64xf32>
    %reduce_sum3A_200 = arith.constant dense<0.000000e+00> : vector<128xf32>
    %reduce_sum3A_201 = vector.multi_reduction <add>, %mul3A_199, %reduce_sum3A_200 [1] : vector<128x64xf32> to vector<128xf32>
    %broadcast_in_dim3A_202 = vector.shape_cast %reduce_sum3A_201 : vector<128xf32> to vector<128x1xf32>
    %add3A_203 = arith.addf %broadcast_in_dim3A_40, %broadcast_in_dim3A_202 : vector<128x1xf32>
    %slice3A_204 = vector.extract_strided_slice %convert_element_type3A_12 {offsets = [384, 0], sizes = [128, 64], strides = [1, 1]} : vector<2048x64xf32> to vector<128x64xf32>
    %slice3A_205 = vector.extract_strided_slice %dot_general3A_180 {offsets = [3, 0], sizes = [1, 64], strides = [1, 1]} : vector<16x64xf32> to vector<1x64xf32>
    %mul3A_206 = vector.broadcast %slice3A_205 : vector<1x64xf32> to vector<128x64xf32>
    %mul3A_207 = arith.mulf %slice3A_204, %mul3A_206 : vector<128x64xf32>
    %reduce_sum3A_208 = arith.constant dense<0.000000e+00> : vector<128xf32>
    %reduce_sum3A_209 = vector.multi_reduction <add>, %mul3A_207, %reduce_sum3A_208 [1] : vector<128x64xf32> to vector<128xf32>
    %broadcast_in_dim3A_210 = vector.shape_cast %reduce_sum3A_209 : vector<128xf32> to vector<128x1xf32>
    %add3A_211 = arith.addf %broadcast_in_dim3A_50, %broadcast_in_dim3A_210 : vector<128x1xf32>
    %slice3A_212 = vector.extract_strided_slice %convert_element_type3A_12 {offsets = [512, 0], sizes = [128, 64], strides = [1, 1]} : vector<2048x64xf32> to vector<128x64xf32>
    %slice3A_213 = vector.extract_strided_slice %dot_general3A_180 {offsets = [4, 0], sizes = [1, 64], strides = [1, 1]} : vector<16x64xf32> to vector<1x64xf32>
    %mul3A_214 = vector.broadcast %slice3A_213 : vector<1x64xf32> to vector<128x64xf32>
    %mul3A_215 = arith.mulf %slice3A_212, %mul3A_214 : vector<128x64xf32>
    %reduce_sum3A_216 = arith.constant dense<0.000000e+00> : vector<128xf32>
    %reduce_sum3A_217 = vector.multi_reduction <add>, %mul3A_215, %reduce_sum3A_216 [1] : vector<128x64xf32> to vector<128xf32>
    %broadcast_in_dim3A_218 = vector.shape_cast %reduce_sum3A_217 : vector<128xf32> to vector<128x1xf32>
    %add3A_219 = arith.addf %broadcast_in_dim3A_60, %broadcast_in_dim3A_218 : vector<128x1xf32>
    %slice3A_220 = vector.extract_strided_slice %convert_element_type3A_12 {offsets = [640, 0], sizes = [128, 64], strides = [1, 1]} : vector<2048x64xf32> to vector<128x64xf32>
    %slice3A_221 = vector.extract_strided_slice %dot_general3A_180 {offsets = [5, 0], sizes = [1, 64], strides = [1, 1]} : vector<16x64xf32> to vector<1x64xf32>
    %mul3A_222 = vector.broadcast %slice3A_221 : vector<1x64xf32> to vector<128x64xf32>
    %mul3A_223 = arith.mulf %slice3A_220, %mul3A_222 : vector<128x64xf32>
    %reduce_sum3A_224 = arith.constant dense<0.000000e+00> : vector<128xf32>
    %reduce_sum3A_225 = vector.multi_reduction <add>, %mul3A_223, %reduce_sum3A_224 [1] : vector<128x64xf32> to vector<128xf32>
    %broadcast_in_dim3A_226 = vector.shape_cast %reduce_sum3A_225 : vector<128xf32> to vector<128x1xf32>
    %add3A_227 = arith.addf %broadcast_in_dim3A_70, %broadcast_in_dim3A_226 : vector<128x1xf32>
    %slice3A_228 = vector.extract_strided_slice %convert_element_type3A_12 {offsets = [768, 0], sizes = [128, 64], strides = [1, 1]} : vector<2048x64xf32> to vector<128x64xf32>
    %slice3A_229 = vector.extract_strided_slice %dot_general3A_180 {offsets = [6, 0], sizes = [1, 64], strides = [1, 1]} : vector<16x64xf32> to vector<1x64xf32>
    %mul3A_230 = vector.broadcast %slice3A_229 : vector<1x64xf32> to vector<128x64xf32>
    %mul3A_231 = arith.mulf %slice3A_228, %mul3A_230 : vector<128x64xf32>
    %reduce_sum3A_232 = arith.constant dense<0.000000e+00> : vector<128xf32>
    %reduce_sum3A_233 = vector.multi_reduction <add>, %mul3A_231, %reduce_sum3A_232 [1] : vector<128x64xf32> to vector<128xf32>
    %broadcast_in_dim3A_234 = vector.shape_cast %reduce_sum3A_233 : vector<128xf32> to vector<128x1xf32>
    %add3A_235 = arith.addf %broadcast_in_dim3A_80, %broadcast_in_dim3A_234 : vector<128x1xf32>
    %slice3A_236 = vector.extract_strided_slice %convert_element_type3A_12 {offsets = [896, 0], sizes = [128, 64], strides = [1, 1]} : vector<2048x64xf32> to vector<128x64xf32>
    %slice3A_237 = vector.extract_strided_slice %dot_general3A_180 {offsets = [7, 0], sizes = [1, 64], strides = [1, 1]} : vector<16x64xf32> to vector<1x64xf32>
    %mul3A_238 = vector.broadcast %slice3A_237 : vector<1x64xf32> to vector<128x64xf32>
    %mul3A_239 = arith.mulf %slice3A_236, %mul3A_238 : vector<128x64xf32>
    %reduce_sum3A_240 = arith.constant dense<0.000000e+00> : vector<128xf32>
    %reduce_sum3A_241 = vector.multi_reduction <add>, %mul3A_239, %reduce_sum3A_240 [1] : vector<128x64xf32> to vector<128xf32>
    %broadcast_in_dim3A_242 = vector.shape_cast %reduce_sum3A_241 : vector<128xf32> to vector<128x1xf32>
    %add3A_243 = arith.addf %broadcast_in_dim3A_90, %broadcast_in_dim3A_242 : vector<128x1xf32>
    %slice3A_244 = vector.extract_strided_slice %convert_element_type3A_12 {offsets = [1024, 0], sizes = [128, 64], strides = [1, 1]} : vector<2048x64xf32> to vector<128x64xf32>
    %slice3A_245 = vector.extract_strided_slice %dot_general3A_180 {offsets = [8, 0], sizes = [1, 64], strides = [1, 1]} : vector<16x64xf32> to vector<1x64xf32>
    %mul3A_246 = vector.broadcast %slice3A_245 : vector<1x64xf32> to vector<128x64xf32>
    %mul3A_247 = arith.mulf %slice3A_244, %mul3A_246 : vector<128x64xf32>
    %reduce_sum3A_248 = arith.constant dense<0.000000e+00> : vector<128xf32>
    %reduce_sum3A_249 = vector.multi_reduction <add>, %mul3A_247, %reduce_sum3A_248 [1] : vector<128x64xf32> to vector<128xf32>
    %broadcast_in_dim3A_250 = vector.shape_cast %reduce_sum3A_249 : vector<128xf32> to vector<128x1xf32>
    %add3A_251 = arith.addf %broadcast_in_dim3A_100, %broadcast_in_dim3A_250 : vector<128x1xf32>
    %slice3A_252 = vector.extract_strided_slice %convert_element_type3A_12 {offsets = [1152, 0], sizes = [128, 64], strides = [1, 1]} : vector<2048x64xf32> to vector<128x64xf32>
    %slice3A_253 = vector.extract_strided_slice %dot_general3A_180 {offsets = [9, 0], sizes = [1, 64], strides = [1, 1]} : vector<16x64xf32> to vector<1x64xf32>
    %mul3A_254 = vector.broadcast %slice3A_253 : vector<1x64xf32> to vector<128x64xf32>
    %mul3A_255 = arith.mulf %slice3A_252, %mul3A_254 : vector<128x64xf32>
    %reduce_sum3A_256 = arith.constant dense<0.000000e+00> : vector<128xf32>
    %reduce_sum3A_257 = vector.multi_reduction <add>, %mul3A_255, %reduce_sum3A_256 [1] : vector<128x64xf32> to vector<128xf32>
    %broadcast_in_dim3A_258 = vector.shape_cast %reduce_sum3A_257 : vector<128xf32> to vector<128x1xf32>
    %add3A_259 = arith.addf %broadcast_in_dim3A_110, %broadcast_in_dim3A_258 : vector<128x1xf32>
    %slice3A_260 = vector.extract_strided_slice %convert_element_type3A_12 {offsets = [1280, 0], sizes = [128, 64], strides = [1, 1]} : vector<2048x64xf32> to vector<128x64xf32>
    %slice3A_261 = vector.extract_strided_slice %dot_general3A_180 {offsets = [10, 0], sizes = [1, 64], strides = [1, 1]} : vector<16x64xf32> to vector<1x64xf32>
    %mul3A_262 = vector.broadcast %slice3A_261 : vector<1x64xf32> to vector<128x64xf32>
    %mul3A_263 = arith.mulf %slice3A_260, %mul3A_262 : vector<128x64xf32>
    %reduce_sum3A_264 = arith.constant dense<0.000000e+00> : vector<128xf32>
    %reduce_sum3A_265 = vector.multi_reduction <add>, %mul3A_263, %reduce_sum3A_264 [1] : vector<128x64xf32> to vector<128xf32>
    %broadcast_in_dim3A_266 = vector.shape_cast %reduce_sum3A_265 : vector<128xf32> to vector<128x1xf32>
    %add3A_267 = arith.addf %broadcast_in_dim3A_120, %broadcast_in_dim3A_266 : vector<128x1xf32>
    %slice3A_268 = vector.extract_strided_slice %convert_element_type3A_12 {offsets = [1408, 0], sizes = [128, 64], strides = [1, 1]} : vector<2048x64xf32> to vector<128x64xf32>
    %slice3A_269 = vector.extract_strided_slice %dot_general3A_180 {offsets = [11, 0], sizes = [1, 64], strides = [1, 1]} : vector<16x64xf32> to vector<1x64xf32>
    %mul3A_270 = vector.broadcast %slice3A_269 : vector<1x64xf32> to vector<128x64xf32>
    %mul3A_271 = arith.mulf %slice3A_268, %mul3A_270 : vector<128x64xf32>
    %reduce_sum3A_272 = arith.constant dense<0.000000e+00> : vector<128xf32>
    %reduce_sum3A_273 = vector.multi_reduction <add>, %mul3A_271, %reduce_sum3A_272 [1] : vector<128x64xf32> to vector<128xf32>
    %broadcast_in_dim3A_274 = vector.shape_cast %reduce_sum3A_273 : vector<128xf32> to vector<128x1xf32>
    %add3A_275 = arith.addf %broadcast_in_dim3A_130, %broadcast_in_dim3A_274 : vector<128x1xf32>
    %slice3A_276 = vector.extract_strided_slice %convert_element_type3A_12 {offsets = [1536, 0], sizes = [128, 64], strides = [1, 1]} : vector<2048x64xf32> to vector<128x64xf32>
    %slice3A_277 = vector.extract_strided_slice %dot_general3A_180 {offsets = [12, 0], sizes = [1, 64], strides = [1, 1]} : vector<16x64xf32> to vector<1x64xf32>
    %mul3A_278 = vector.broadcast %slice3A_277 : vector<1x64xf32> to vector<128x64xf32>
    %mul3A_279 = arith.mulf %slice3A_276, %mul3A_278 : vector<128x64xf32>
    %reduce_sum3A_280 = arith.constant dense<0.000000e+00> : vector<128xf32>
    %reduce_sum3A_281 = vector.multi_reduction <add>, %mul3A_279, %reduce_sum3A_280 [1] : vector<128x64xf32> to vector<128xf32>
    %broadcast_in_dim3A_282 = vector.shape_cast %reduce_sum3A_281 : vector<128xf32> to vector<128x1xf32>
    %add3A_283 = arith.addf %broadcast_in_dim3A_140, %broadcast_in_dim3A_282 : vector<128x1xf32>
    %slice3A_284 = vector.extract_strided_slice %convert_element_type3A_12 {offsets = [1664, 0], sizes = [128, 64], strides = [1, 1]} : vector<2048x64xf32> to vector<128x64xf32>
    %slice3A_285 = vector.extract_strided_slice %dot_general3A_180 {offsets = [13, 0], sizes = [1, 64], strides = [1, 1]} : vector<16x64xf32> to vector<1x64xf32>
    %mul3A_286 = vector.broadcast %slice3A_285 : vector<1x64xf32> to vector<128x64xf32>
    %mul3A_287 = arith.mulf %slice3A_284, %mul3A_286 : vector<128x64xf32>
    %reduce_sum3A_288 = arith.constant dense<0.000000e+00> : vector<128xf32>
    %reduce_sum3A_289 = vector.multi_reduction <add>, %mul3A_287, %reduce_sum3A_288 [1] : vector<128x64xf32> to vector<128xf32>
    %broadcast_in_dim3A_290 = vector.shape_cast %reduce_sum3A_289 : vector<128xf32> to vector<128x1xf32>
    %add3A_291 = arith.addf %broadcast_in_dim3A_150, %broadcast_in_dim3A_290 : vector<128x1xf32>
    %slice3A_292 = vector.extract_strided_slice %convert_element_type3A_12 {offsets = [1792, 0], sizes = [128, 64], strides = [1, 1]} : vector<2048x64xf32> to vector<128x64xf32>
    %slice3A_293 = vector.extract_strided_slice %dot_general3A_180 {offsets = [14, 0], sizes = [1, 64], strides = [1, 1]} : vector<16x64xf32> to vector<1x64xf32>
    %mul3A_294 = vector.broadcast %slice3A_293 : vector<1x64xf32> to vector<128x64xf32>
    %mul3A_295 = arith.mulf %slice3A_292, %mul3A_294 : vector<128x64xf32>
    %reduce_sum3A_296 = arith.constant dense<0.000000e+00> : vector<128xf32>
    %reduce_sum3A_297 = vector.multi_reduction <add>, %mul3A_295, %reduce_sum3A_296 [1] : vector<128x64xf32> to vector<128xf32>
    %broadcast_in_dim3A_298 = vector.shape_cast %reduce_sum3A_297 : vector<128xf32> to vector<128x1xf32>
    %add3A_299 = arith.addf %broadcast_in_dim3A_160, %broadcast_in_dim3A_298 : vector<128x1xf32>
    %slice3A_300 = vector.extract_strided_slice %convert_element_type3A_12 {offsets = [1920, 0], sizes = [128, 64], strides = [1, 1]} : vector<2048x64xf32> to vector<128x64xf32>
    %slice3A_301 = vector.extract_strided_slice %dot_general3A_180 {offsets = [15, 0], sizes = [1, 64], strides = [1, 1]} : vector<16x64xf32> to vector<1x64xf32>
    %mul3A_302 = vector.broadcast %slice3A_301 : vector<1x64xf32> to vector<128x64xf32>
    %mul3A_303 = arith.mulf %slice3A_300, %mul3A_302 : vector<128x64xf32>
    %reduce_sum3A_304 = arith.constant dense<0.000000e+00> : vector<128xf32>
    %reduce_sum3A_305 = vector.multi_reduction <add>, %mul3A_303, %reduce_sum3A_304 [1] : vector<128x64xf32> to vector<128xf32>
    %broadcast_in_dim3A_306 = vector.shape_cast %reduce_sum3A_305 : vector<128xf32> to vector<128x1xf32>
    %add3A_307 = arith.addf %broadcast_in_dim3A_170, %broadcast_in_dim3A_306 : vector<128x1xf32>
    %concatenate3A_308 = tpu.concatenate %add3A, %add3A_195, %add3A_203, %add3A_211, %add3A_219, %add3A_227, %add3A_235, %add3A_243, %add3A_251, %add3A_259, %add3A_267, %add3A_275, %add3A_283, %add3A_291, %add3A_299, %add3A_307 in 0 : vector<128x1xf32>, vector<128x1xf32>, vector<128x1xf32>, vector<128x1xf32>, vector<128x1xf32>, vector<128x1xf32>, vector<128x1xf32>, vector<128x1xf32>, vector<128x1xf32>, vector<128x1xf32>, vector<128x1xf32>, vector<128x1xf32>, vector<128x1xf32>, vector<128x1xf32>, vector<128x1xf32>, vector<128x1xf32> -> vector<2048x1xf32>
    %reduce_sum3A_309 = arith.constant dense<0.000000e+00> : vector<64xf32>
    %reduce_sum3A_310 = vector.multi_reduction <add>, %concatenate3A, %reduce_sum3A_309 [0] : vector<16x64xf32> to vector<64xf32>
    %broadcast_in_dim3A_311 = vector.shape_cast %reduce_sum3A_310 : vector<64xf32> to vector<1x64xf32>
    %add3A_312 = arith.constant 7.000000e+00 : f32
    %add3A_313 = vector.broadcast %add3A_312 : f32 to vector<1x64xf32>
    %add3A_314 = arith.addf %broadcast_in_dim3A_311, %add3A_313 : vector<1x64xf32>
    %mul3A_315 = arith.constant 1.250000e-01 : f32
    %mul3A_316 = vector.broadcast %mul3A_315 : f32 to vector<1x64xf32>
    %mul3A_317 = arith.mulf %add3A_314, %mul3A_316 : vector<1x64xf32>
    %floor3A = math.floor %mul3A_317 : vector<1x64xf32>
    %mul3A_318 = arith.constant 8.000000e+00 : f32
    %mul3A_319 = vector.broadcast %mul3A_318 : f32 to vector<1x64xf32>
    %mul3A_320 = arith.mulf %floor3A, %mul3A_319 : vector<1x64xf32>
    %iota3A_321 = tpu.iota {dimensions = array<i32: 0>} : vector<64x64xi32>
    %iota3A_322 = tpu.iota {dimensions = array<i32: 1>} : vector<64x64xi32>
    %lt3A_323 = arith.cmpi slt, %iota3A_321, %iota3A_322 : vector<64x64xi32>
    %convert_element_type3A_324 = arith.extui %lt3A_323 : vector<64x64xi1> to vector<64x64xi32>
    %convert_element_type3A_325 = arith.sitofp %convert_element_type3A_324 : vector<64x64xi32> to vector<64x64xf32>
    %dot_general3A_326 = arith.constant dense<0.000000e+00> : vector<1x64xf32>
    %dot_general3A_327 = tpu.matmul %mul3A_320, %convert_element_type3A_325, %dot_general3A_326 {dimension_numbers = #tpu.dot_dimension_numbers<[1], [0], [0], [1], [0, 0, 1, 1], [], []>, transpose_lhs_hint = false} : vector<1x64xf32>, vector<64x64xf32>, vector<1x64xf32> -> vector<1x64xf32>
    %mul3A_328 = vector.broadcast %dot_general3A_327 : vector<1x64xf32> to vector<2048x64xf32>
    %mul3A_329 = arith.mulf %convert_element_type3A_12, %mul3A_328 : vector<2048x64xf32>
    %reduce_sum3A_330 = arith.constant dense<0.000000e+00> : vector<2048xf32>
    %reduce_sum3A_331 = vector.multi_reduction <add>, %mul3A_329, %reduce_sum3A_330 [1] : vector<2048x64xf32> to vector<2048xf32>
    %broadcast_in_dim3A_332 = vector.shape_cast %reduce_sum3A_331 : vector<2048xf32> to vector<2048x1xf32>
    %add3A_333 = arith.addf %broadcast_in_dim3A_332, %concatenate3A_308 : vector<2048x1xf32>
    %convert_element_type3A_334 = arith.fptosi %add3A_333 : vector<2048x1xf32> to vector<2048x1xi32>
    %swap3A = arith.constant 0 : index
    %swap3A_335 = arith.constant 0 : index
    %swap3A_336 = vector.load %arg2[%swap3A, %swap3A_335] : memref<2048x1xi32, #tpu.memory_space<vmem>>, vector<2048x1xi32>
    tpu.vector_store %arg2[%swap3A, %swap3A_335], %convert_element_type3A_334 {strides = array<i32>} : memref<2048x1xi32, #tpu.memory_space<vmem>>, vector<2048x1xi32>,
    %convert_element_type3A_337 = arith.fptosi %dot_general3A_327 : vector<1x64xf32> to vector<1x64xi32>
    %swap3A_338 = arith.constant 0 : index
    %swap3A_339 = arith.constant 0 : index
    %swap3A_340 = vector.load %arg3[%swap3A_338, %swap3A_339] : memref<1x64xi32, #tpu.memory_space<vmem>>, vector<1x64xi32>
    tpu.vector_store %arg3[%swap3A_338, %swap3A_339], %convert_element_type3A_337 {strides = array<i32>} : memref<1x64xi32, #tpu.memory_space<vmem>>, vector<1x64xi32>,
    %convert_element_type3A_341 = arith.fptosi %broadcast_in_dim3A_311 : vector<1x64xf32> to vector<1x64xi32>
    %swap3A_342 = arith.constant 0 : index
    %swap3A_343 = arith.constant 0 : index
    %swap3A_344 = vector.load %arg4[%swap3A_342, %swap3A_343] : memref<1x64xi32, #tpu.memory_space<vmem>>, vector<1x64xi32>
    tpu.vector_store %arg4[%swap3A_342, %swap3A_343], %convert_element_type3A_341 {strides = array<i32>} : memref<1x64xi32, #tpu.memory_space<vmem>>, vector<1x64xi32>,
    return
  }
}

module attributes {stable_mosaic.version = 14 : i64} {
  func.func @_ffn_body(%arg0: i32, %arg1: memref<64xi32, #tpu.memory_space<smem>>, %arg2: memref<64xi32, #tpu.memory_space<smem>>, %arg3: memref<2560x768xf32, #tpu.memory_space<vmem>>, %arg4: memref<1x2048x768xf32, #tpu.memory_space<vmem>>, %arg5: memref<1x1x2048xf32, #tpu.memory_space<vmem>>, %arg6: memref<1x2048x768xf32, #tpu.memory_space<vmem>>, %arg7: memref<1x1x2048xf32, #tpu.memory_space<vmem>>, %arg8: memref<1x768x2048xf32, #tpu.memory_space<vmem>>, %arg9: memref<1x1x768xf32, #tpu.memory_space<vmem>>, %arg10: memref<2560x768xf32, #tpu.memory_space<vmem>>) attributes {dimension_semantics = [#tpu.dimension_semantics<arbitrary>], iteration_bounds = array<i64: 64>, scalar_prefetch = 2 : i64, scratch_operands = 0 : i64, tpu.core_type = #tpu.core_type<tc>, window_params = [{pipeline_mode = #tpu.pipeline_mode<synchronous>, transform_indices = @transform_0, window_bounds = array<i64: 2560, 768>}, {transform_indices = @transform_1, window_bounds = array<i64: 1, 2048, 768>}, {transform_indices = @transform_2, window_bounds = array<i64: 1, 1, 2048>}, {transform_indices = @transform_3, window_bounds = array<i64: 1, 2048, 768>}, {transform_indices = @transform_4, window_bounds = array<i64: 1, 1, 2048>}, {transform_indices = @transform_5, window_bounds = array<i64: 1, 768, 2048>}, {transform_indices = @transform_6, window_bounds = array<i64: 1, 1, 768>}, {pipeline_mode = #tpu.pipeline_mode<synchronous>, transform_indices = @transform_7, window_bounds = array<i64: 2560, 768>}]} {
    %mul3A = arith.constant 1 : i32
    %mul3A_0 = arith.muli %arg0, %mul3A : i32
    %add3A = arith.constant 0 : i32
    %add3A_1 = arith.addi %mul3A_0, %add3A : i32
    %get3A = arith.index_cast %add3A_1 : i32 to index
    %get3A_2 = memref.load %arg1[%get3A] : memref<64xi32, #tpu.memory_space<smem>>
    %multiple_of3A = tpu.assume_multiple %get3A_2, 8 : i32
    %get3A_3 = arith.index_cast %add3A_1 : i32 to index
    %get3A_4 = memref.load %arg2[%get3A_3] : memref<64xi32, #tpu.memory_space<smem>>
    %add3A_5 = arith.constant 64 : i32
    %add3A_6 = arith.addi %get3A_4, %add3A_5 : i32
    %sub3A = arith.constant 1 : i32
    %sub3A_7 = arith.subi %add3A_6, %sub3A : i32
    %jit3A = arith.constant 64 : i32
    %div3A = arith.divsi %sub3A_7, %jit3A : i32
    %sign3A = arith.constant 0 : i32
    %sign3A_8 = arith.cmpi sgt, %sub3A_7, %sign3A : i32
    %sign3A_9 = arith.extui %sign3A_8 : i1 to i32
    %sign3A_10 = arith.constant 0 : i32
    %sign3A_11 = arith.cmpi slt, %sub3A_7, %sign3A_10 : i32
    %sign3A_12 = arith.extui %sign3A_11 : i1 to i32
    %sign3A_13 = arith.subi %sign3A_9, %sign3A_12 : i32
    %sign3A_14 = arith.constant 0 : i32
    %sign3A_15 = arith.cmpi sgt, %jit3A, %sign3A_14 : i32
    %sign3A_16 = arith.extui %sign3A_15 : i1 to i32
    %sign3A_17 = arith.constant 0 : i32
    %sign3A_18 = arith.cmpi slt, %jit3A, %sign3A_17 : i32
    %sign3A_19 = arith.extui %sign3A_18 : i1 to i32
    %sign3A_20 = arith.subi %sign3A_16, %sign3A_19 : i32
    %ne3A = arith.cmpi ne, %sign3A_13, %sign3A_20 : i32
    %rem3A = arith.remsi %sub3A_7, %jit3A : i32
    %ne3A_21 = arith.constant 0 : i32
    %ne3A_22 = arith.cmpi ne, %rem3A, %ne3A_21 : i32
    %and3A = arith.andi %ne3A, %ne3A_22 : i1
    %sub3A_23 = arith.constant 1 : i32
    %sub3A_24 = arith.subi %div3A, %sub3A_23 : i32
    %select_n3A = arith.select %and3A, %sub3A_24, %div3A : i32
    %while3A = arith.constant 0 : i32
    %while3A_25 = arith.constant 0 : i32
    %while3A_26 = arith.subi %select_n3A, %while3A : i32
    %while3A_27 = arith.addi %while3A, %while3A_26 : i32
    %while3A_28 = arith.constant 1 : i32
    %while3A_29 = arith.divsi %while3A_26, %while3A_28 : i32
    %while3A_30 = arith.muli %while3A_29, %while3A_28 : i32
    %while3A_31 = arith.addi %while3A, %while3A_30 : i32
    %while3A_32 = arith.constant 1 : i32
    %while3A_33 = scf.for %while3A_36 = %while3A to %while3A_31 step %while3A_32 iter_args(%while3A_37 = %while3A_25) -> (i32)  : i32 {
      %mul3A_38 = arith.constant 64 : i32
      %mul3A_39 = arith.muli %while3A_36, %mul3A_38 : i32
      %add3A_40 = arith.addi %multiple_of3A, %mul3A_39 : i32
      %get3A_41 = arith.index_cast %add3A_40 : i32 to index
      %get3A_42 = arith.constant 0 : index
      %get3A_43 = vector.load %arg3[%get3A_41, %get3A_42] : memref<2560x768xf32, #tpu.memory_space<vmem>>, vector<64x768xf32>
      %get3A_44 = arith.constant 0 : index
      %get3A_45 = arith.constant 0 : index
      %get3A_46 = arith.constant 0 : index
      %get3A_47 = vector.load %arg4[%get3A_44, %get3A_45, %get3A_46] : memref<1x2048x768xf32, #tpu.memory_space<vmem>>, vector<1x2048x768xf32>
      %get3A_48 = vector.shape_cast %get3A_47 : vector<1x2048x768xf32> to vector<2048x768xf32>
      %dot_general3A = arith.constant dense<0.000000e+00> : vector<64x2048xf32>
      %dot_general3A_49 = tpu.matmul %get3A_43, %get3A_48, %dot_general3A {dimension_numbers = #tpu.dot_dimension_numbers<[1], [1], [0], [0], [0, 0, 1, 0], [], []>, transpose_lhs_hint = false} : vector<64x768xf32>, vector<2048x768xf32>, vector<64x2048xf32> -> vector<64x2048xf32>
      %get3A_50 = arith.constant 0 : index
      %get3A_51 = arith.constant 0 : index
      %get3A_52 = arith.constant 0 : index
      %get3A_53 = vector.load %arg5[%get3A_50, %get3A_51, %get3A_52] : memref<1x1x2048xf32, #tpu.memory_space<vmem>>, vector<1x1x2048xf32>
      %get3A_54 = vector.shape_cast %get3A_53 : vector<1x1x2048xf32> to vector<1x2048xf32>
      %add3A_55 = vector.broadcast %get3A_54 : vector<1x2048xf32> to vector<64x2048xf32>
      %add3A_56 = arith.addf %dot_general3A_49, %add3A_55 : vector<64x2048xf32>
      %get3A_57 = arith.constant 0 : index
      %get3A_58 = arith.constant 0 : index
      %get3A_59 = arith.constant 0 : index
      %get3A_60 = vector.load %arg6[%get3A_57, %get3A_58, %get3A_59] : memref<1x2048x768xf32, #tpu.memory_space<vmem>>, vector<1x2048x768xf32>
      %get3A_61 = vector.shape_cast %get3A_60 : vector<1x2048x768xf32> to vector<2048x768xf32>
      %dot_general3A_62 = arith.constant dense<0.000000e+00> : vector<64x2048xf32>
      %dot_general3A_63 = tpu.matmul %get3A_43, %get3A_61, %dot_general3A_62 {dimension_numbers = #tpu.dot_dimension_numbers<[1], [1], [0], [0], [0, 0, 1, 0], [], []>, transpose_lhs_hint = false} : vector<64x768xf32>, vector<2048x768xf32>, vector<64x2048xf32> -> vector<64x2048xf32>
      %get3A_64 = arith.constant 0 : index
      %get3A_65 = arith.constant 0 : index
      %get3A_66 = arith.constant 0 : index
      %get3A_67 = vector.load %arg7[%get3A_64, %get3A_65, %get3A_66] : memref<1x1x2048xf32, #tpu.memory_space<vmem>>, vector<1x1x2048xf32>
      %get3A_68 = vector.shape_cast %get3A_67 : vector<1x1x2048xf32> to vector<1x2048xf32>
      %add3A_69 = vector.broadcast %get3A_68 : vector<1x2048xf32> to vector<64x2048xf32>
      %add3A_70 = arith.addf %dot_general3A_63, %add3A_69 : vector<64x2048xf32>
      %logistic3A = arith.negf %add3A_70 : vector<64x2048xf32>
      %logistic3A_71 = math.exp %logistic3A : vector<64x2048xf32>
      %logistic3A_72 = arith.constant 1.000000e+00 : f32
      %logistic3A_73 = vector.broadcast %logistic3A_72 : f32 to vector<64x2048xf32>
      %logistic3A_74 = arith.addf %logistic3A_73, %logistic3A_71 : vector<64x2048xf32>
      %logistic3A_75 = arith.divf %logistic3A_73, %logistic3A_74 : vector<64x2048xf32>
      %mul3A_76 = arith.mulf %add3A_70, %logistic3A_75 : vector<64x2048xf32>
      %mul3A_77 = arith.mulf %add3A_56, %mul3A_76 : vector<64x2048xf32>
      %get3A_78 = arith.constant 0 : index
      %get3A_79 = arith.constant 0 : index
      %get3A_80 = arith.constant 0 : index
      %get3A_81 = vector.load %arg8[%get3A_78, %get3A_79, %get3A_80] : memref<1x768x2048xf32, #tpu.memory_space<vmem>>, vector<1x768x2048xf32>
      %get3A_82 = vector.shape_cast %get3A_81 : vector<1x768x2048xf32> to vector<768x2048xf32>
      %dot_general3A_83 = arith.constant dense<0.000000e+00> : vector<64x768xf32>
      %dot_general3A_84 = tpu.matmul %mul3A_77, %get3A_82, %dot_general3A_83 {dimension_numbers = #tpu.dot_dimension_numbers<[1], [1], [0], [0], [0, 0, 1, 0], [], []>, transpose_lhs_hint = false} : vector<64x2048xf32>, vector<768x2048xf32>, vector<64x768xf32> -> vector<64x768xf32>
      %get3A_85 = arith.constant 0 : index
      %get3A_86 = arith.constant 0 : index
      %get3A_87 = arith.constant 0 : index
      %get3A_88 = vector.load %arg9[%get3A_85, %get3A_86, %get3A_87] : memref<1x1x768xf32, #tpu.memory_space<vmem>>, vector<1x1x768xf32>
      %get3A_89 = vector.shape_cast %get3A_88 : vector<1x1x768xf32> to vector<1x768xf32>
      %add3A_90 = vector.broadcast %get3A_89 : vector<1x768xf32> to vector<64x768xf32>
      %add3A_91 = arith.addf %dot_general3A_84, %add3A_90 : vector<64x768xf32>
      %mul3A_92 = arith.constant 64 : i32
      %mul3A_93 = arith.muli %while3A_36, %mul3A_92 : i32
      %sub3A_94 = arith.subi %get3A_4, %mul3A_93 : i32
      %iota3A = tpu.iota {dimensions = array<i32: 0>} : vector<64x768xi32>
      %lt3A = vector.broadcast %sub3A_94 : i32 to vector<64x768xi32>
      %lt3A_95 = arith.cmpi slt, %iota3A, %lt3A : vector<64x768xi32>
      %get3A_96 = arith.index_cast %add3A_40 : i32 to index
      %get3A_97 = arith.constant 0 : index
      %get3A_98 = vector.load %arg10[%get3A_96, %get3A_97] : memref<2560x768xf32, #tpu.memory_space<vmem>>, vector<64x768xf32>
      %select_n3A_99 = arith.select %lt3A_95, %add3A_91, %get3A_98 : vector<64x768xi1>, vector<64x768xf32>
      %swap3A = arith.index_cast %add3A_40 : i32 to index
      %swap3A_100 = arith.constant 0 : index
      %swap3A_101 = vector.load %arg10[%swap3A, %swap3A_100] : memref<2560x768xf32, #tpu.memory_space<vmem>>, vector<64x768xf32>
      tpu.vector_store %arg10[%swap3A, %swap3A_100], %select_n3A_99 {strides = array<i32>} : memref<2560x768xf32, #tpu.memory_space<vmem>>, vector<64x768xf32>,
      %while3A_102 = arith.constant 0 : i32
      scf.yield %while3A_102 : i32
    }
    %while3A_34 = arith.constant 1 : i32
    %while3A_35 = scf.for %while3A_36 = %while3A_31 to %while3A_27 step %while3A_34 iter_args(%while3A_37 = %while3A_33) -> (i32)  : i32 {
      %mul3A_38 = arith.constant 64 : i32
      %mul3A_39 = arith.muli %while3A_36, %mul3A_38 : i32
      %add3A_40 = arith.addi %multiple_of3A, %mul3A_39 : i32
      %get3A_41 = arith.index_cast %add3A_40 : i32 to index
      %get3A_42 = arith.constant 0 : index
      %get3A_43 = vector.load %arg3[%get3A_41, %get3A_42] : memref<2560x768xf32, #tpu.memory_space<vmem>>, vector<64x768xf32>
      %get3A_44 = arith.constant 0 : index
      %get3A_45 = arith.constant 0 : index
      %get3A_46 = arith.constant 0 : index
      %get3A_47 = vector.load %arg4[%get3A_44, %get3A_45, %get3A_46] : memref<1x2048x768xf32, #tpu.memory_space<vmem>>, vector<1x2048x768xf32>
      %get3A_48 = vector.shape_cast %get3A_47 : vector<1x2048x768xf32> to vector<2048x768xf32>
      %dot_general3A = arith.constant dense<0.000000e+00> : vector<64x2048xf32>
      %dot_general3A_49 = tpu.matmul %get3A_43, %get3A_48, %dot_general3A {dimension_numbers = #tpu.dot_dimension_numbers<[1], [1], [0], [0], [0, 0, 1, 0], [], []>, transpose_lhs_hint = false} : vector<64x768xf32>, vector<2048x768xf32>, vector<64x2048xf32> -> vector<64x2048xf32>
      %get3A_50 = arith.constant 0 : index
      %get3A_51 = arith.constant 0 : index
      %get3A_52 = arith.constant 0 : index
      %get3A_53 = vector.load %arg5[%get3A_50, %get3A_51, %get3A_52] : memref<1x1x2048xf32, #tpu.memory_space<vmem>>, vector<1x1x2048xf32>
      %get3A_54 = vector.shape_cast %get3A_53 : vector<1x1x2048xf32> to vector<1x2048xf32>
      %add3A_55 = vector.broadcast %get3A_54 : vector<1x2048xf32> to vector<64x2048xf32>
      %add3A_56 = arith.addf %dot_general3A_49, %add3A_55 : vector<64x2048xf32>
      %get3A_57 = arith.constant 0 : index
      %get3A_58 = arith.constant 0 : index
      %get3A_59 = arith.constant 0 : index
      %get3A_60 = vector.load %arg6[%get3A_57, %get3A_58, %get3A_59] : memref<1x2048x768xf32, #tpu.memory_space<vmem>>, vector<1x2048x768xf32>
      %get3A_61 = vector.shape_cast %get3A_60 : vector<1x2048x768xf32> to vector<2048x768xf32>
      %dot_general3A_62 = arith.constant dense<0.000000e+00> : vector<64x2048xf32>
      %dot_general3A_63 = tpu.matmul %get3A_43, %get3A_61, %dot_general3A_62 {dimension_numbers = #tpu.dot_dimension_numbers<[1], [1], [0], [0], [0, 0, 1, 0], [], []>, transpose_lhs_hint = false} : vector<64x768xf32>, vector<2048x768xf32>, vector<64x2048xf32> -> vector<64x2048xf32>
      %get3A_64 = arith.constant 0 : index
      %get3A_65 = arith.constant 0 : index
      %get3A_66 = arith.constant 0 : index
      %get3A_67 = vector.load %arg7[%get3A_64, %get3A_65, %get3A_66] : memref<1x1x2048xf32, #tpu.memory_space<vmem>>, vector<1x1x2048xf32>
      %get3A_68 = vector.shape_cast %get3A_67 : vector<1x1x2048xf32> to vector<1x2048xf32>
      %add3A_69 = vector.broadcast %get3A_68 : vector<1x2048xf32> to vector<64x2048xf32>
      %add3A_70 = arith.addf %dot_general3A_63, %add3A_69 : vector<64x2048xf32>
      %logistic3A = arith.negf %add3A_70 : vector<64x2048xf32>
      %logistic3A_71 = math.exp %logistic3A : vector<64x2048xf32>
      %logistic3A_72 = arith.constant 1.000000e+00 : f32
      %logistic3A_73 = vector.broadcast %logistic3A_72 : f32 to vector<64x2048xf32>
      %logistic3A_74 = arith.addf %logistic3A_73, %logistic3A_71 : vector<64x2048xf32>
      %logistic3A_75 = arith.divf %logistic3A_73, %logistic3A_74 : vector<64x2048xf32>
      %mul3A_76 = arith.mulf %add3A_70, %logistic3A_75 : vector<64x2048xf32>
      %mul3A_77 = arith.mulf %add3A_56, %mul3A_76 : vector<64x2048xf32>
      %get3A_78 = arith.constant 0 : index
      %get3A_79 = arith.constant 0 : index
      %get3A_80 = arith.constant 0 : index
      %get3A_81 = vector.load %arg8[%get3A_78, %get3A_79, %get3A_80] : memref<1x768x2048xf32, #tpu.memory_space<vmem>>, vector<1x768x2048xf32>
      %get3A_82 = vector.shape_cast %get3A_81 : vector<1x768x2048xf32> to vector<768x2048xf32>
      %dot_general3A_83 = arith.constant dense<0.000000e+00> : vector<64x768xf32>
      %dot_general3A_84 = tpu.matmul %mul3A_77, %get3A_82, %dot_general3A_83 {dimension_numbers = #tpu.dot_dimension_numbers<[1], [1], [0], [0], [0, 0, 1, 0], [], []>, transpose_lhs_hint = false} : vector<64x2048xf32>, vector<768x2048xf32>, vector<64x768xf32> -> vector<64x768xf32>
      %get3A_85 = arith.constant 0 : index
      %get3A_86 = arith.constant 0 : index
      %get3A_87 = arith.constant 0 : index
      %get3A_88 = vector.load %arg9[%get3A_85, %get3A_86, %get3A_87] : memref<1x1x768xf32, #tpu.memory_space<vmem>>, vector<1x1x768xf32>
      %get3A_89 = vector.shape_cast %get3A_88 : vector<1x1x768xf32> to vector<1x768xf32>
      %add3A_90 = vector.broadcast %get3A_89 : vector<1x768xf32> to vector<64x768xf32>
      %add3A_91 = arith.addf %dot_general3A_84, %add3A_90 : vector<64x768xf32>
      %mul3A_92 = arith.constant 64 : i32
      %mul3A_93 = arith.muli %while3A_36, %mul3A_92 : i32
      %sub3A_94 = arith.subi %get3A_4, %mul3A_93 : i32
      %iota3A = tpu.iota {dimensions = array<i32: 0>} : vector<64x768xi32>
      %lt3A = vector.broadcast %sub3A_94 : i32 to vector<64x768xi32>
      %lt3A_95 = arith.cmpi slt, %iota3A, %lt3A : vector<64x768xi32>
      %get3A_96 = arith.index_cast %add3A_40 : i32 to index
      %get3A_97 = arith.constant 0 : index
      %get3A_98 = vector.load %arg10[%get3A_96, %get3A_97] : memref<2560x768xf32, #tpu.memory_space<vmem>>, vector<64x768xf32>
      %select_n3A_99 = arith.select %lt3A_95, %add3A_91, %get3A_98 : vector<64x768xi1>, vector<64x768xf32>
      %swap3A = arith.index_cast %add3A_40 : i32 to index
      %swap3A_100 = arith.constant 0 : index
      %swap3A_101 = vector.load %arg10[%swap3A, %swap3A_100] : memref<2560x768xf32, #tpu.memory_space<vmem>>, vector<64x768xf32>
      tpu.vector_store %arg10[%swap3A, %swap3A_100], %select_n3A_99 {strides = array<i32>} : memref<2560x768xf32, #tpu.memory_space<vmem>>, vector<64x768xf32>,
      %while3A_102 = arith.constant 0 : i32
      scf.yield %while3A_102 : i32
    }
    return
  }
  func.func @transform_0(%arg0: i32, %arg1: memref<64xi32, #tpu.memory_space<smem>>, %arg2: memref<64xi32, #tpu.memory_space<smem>>) -> (i32, i32) {
    %c0_i32 = arith.constant 0 : i32
    %c0_i32_0 = arith.constant 0 : i32
    %c0_i32_1 = arith.constant 0 : i32
    return %c0_i32, %c0_i32_0 : i32, i32
  }
  func.func @transform_1(%arg0: i32, %arg1: memref<64xi32, #tpu.memory_space<smem>>, %arg2: memref<64xi32, #tpu.memory_space<smem>>) -> (i32, i32, i32) {
    %c0_i32 = arith.constant 0 : i32
    %c0_i32_0 = arith.constant 0 : i32
    %c0_i32_1 = arith.constant 0 : i32
    return %arg0, %c0_i32, %c0_i32_0 : i32, i32, i32
  }
  func.func @transform_2(%arg0: i32, %arg1: memref<64xi32, #tpu.memory_space<smem>>, %arg2: memref<64xi32, #tpu.memory_space<smem>>) -> (i32, i32, i32) {
    %c0_i32 = arith.constant 0 : i32
    %c0_i32_0 = arith.constant 0 : i32
    %c0_i32_1 = arith.constant 0 : i32
    return %arg0, %c0_i32, %c0_i32_0 : i32, i32, i32
  }
  func.func @transform_3(%arg0: i32, %arg1: memref<64xi32, #tpu.memory_space<smem>>, %arg2: memref<64xi32, #tpu.memory_space<smem>>) -> (i32, i32, i32) {
    %c0_i32 = arith.constant 0 : i32
    %c0_i32_0 = arith.constant 0 : i32
    %c0_i32_1 = arith.constant 0 : i32
    return %arg0, %c0_i32, %c0_i32_0 : i32, i32, i32
  }
  func.func @transform_4(%arg0: i32, %arg1: memref<64xi32, #tpu.memory_space<smem>>, %arg2: memref<64xi32, #tpu.memory_space<smem>>) -> (i32, i32, i32) {
    %c0_i32 = arith.constant 0 : i32
    %c0_i32_0 = arith.constant 0 : i32
    %c0_i32_1 = arith.constant 0 : i32
    return %arg0, %c0_i32, %c0_i32_0 : i32, i32, i32
  }
  func.func @transform_5(%arg0: i32, %arg1: memref<64xi32, #tpu.memory_space<smem>>, %arg2: memref<64xi32, #tpu.memory_space<smem>>) -> (i32, i32, i32) {
    %c0_i32 = arith.constant 0 : i32
    %c0_i32_0 = arith.constant 0 : i32
    %c0_i32_1 = arith.constant 0 : i32
    return %arg0, %c0_i32, %c0_i32_0 : i32, i32, i32
  }
  func.func @transform_6(%arg0: i32, %arg1: memref<64xi32, #tpu.memory_space<smem>>, %arg2: memref<64xi32, #tpu.memory_space<smem>>) -> (i32, i32, i32) {
    %c0_i32 = arith.constant 0 : i32
    %c0_i32_0 = arith.constant 0 : i32
    %c0_i32_1 = arith.constant 0 : i32
    return %arg0, %c0_i32, %c0_i32_0 : i32, i32, i32
  }
  func.func @transform_7(%arg0: i32, %arg1: memref<64xi32, #tpu.memory_space<smem>>, %arg2: memref<64xi32, #tpu.memory_space<smem>>) -> (i32, i32) {
    %c0_i32 = arith.constant 0 : i32
    %c0_i32_0 = arith.constant 0 : i32
    %c0_i32_1 = arith.constant 0 : i32
    return %c0_i32, %c0_i32_0 : i32, i32
  }
}

</mosaic_0001>

<sc_bundles>
// kernel: kernel.6.cloned.1.call-start
scs
__scs_entry_jumppad:
0x0: {  	(pc) =	sbr.rel $0x88, $3  }
0x1: {  	(tag) =	ssettag $0x0;
	lr =	simm.s32 $0x1  }
0x2: {  	[smem:$0x3F99] =	sst lr;
	_ =	strace $0xD0000000  }
0x3: {  	_ = 	snop  }
0x4: {  	_ = 	snop  }
0x5: {  	_ = 	snop  }
0x6: {  	_ = 	snop  }
0x7: {  	_ = 	snop  }
__scs_overlays_trampoline_lowered:
0x8: {  	[smem:$0x3FA8] =	sst s0  }
0x9: {  	[smem:$0x3FA9] =	sst s1  }
0xa: {  	[smem:$0x3FAA] =	sst s2  }
0xb: {  	[smem:$0x3FAB] =	sst s3  }
0xc: {  	[smem:$0x3FAC] =	sst s4  }
0xd: {  	[smem:$0x3FAD] =	sst s5  }
0xe: {  	[smem:$0x3FAE] =	sst s6  }
0xf: {  	[smem:$0x3FAF] =	sst s7  }
0x10: {  	[smem:$0x3FB0] =	sst s8  }
0x11: {  	[smem:$0x3FB1] =	sst s9;
	s0 =	simm.s32 @!p0 $0x0  }
0x12: {  	s1 =	sld [smem:$0x3F97];
	s0 =	simm.s32 @p0 $0x1  }
0x13: {  	[smem:$0x3FB2] =	sst s0;
	s0 =	simm.s32 @!p1 $0x0  }
0x14: {  	s2 =	sld [smem:$0x3F96];
	s0 =	simm.s32 @p1 $0x1  }
0x15: {  	[smem:$0x3FB3] =	sst s0;
	s0 =	simm.s32 @!p2 $0x0  }
0x16: {  	s3 =	sld [smem:$0x3FDB];
	s0 =	simm.s32 @p2 $0x1  }
0x17: {  	s4 =	simm.s32 $0x1BF5;
	[smem:$0x3FB5] =	sst s0  }
0x18: {  	s0 =	sld [smem:$0x3F98];
	_ =	swait.ge [sflag:s4], $0x0  }
0x19: {  	s7 =	sld [smem:$0x3F99]  }
0x1a: {  	s8 =	sadd.s32 $0xFFFFE003, lr  }
0x1b: {  	s9 =	sadd.s32 $0xFFFFFEF7, lr;
	s5 =	simm.s32 $0xFFFFFFFF;
	p2 =	slt.u32 s8, $0xFFFFF086  }
0x1c: {  	p1 =	slt.u32 s9, $0xF7A;
	s5 =	simm.s32 @!p2 $0x0  }
0x1d: {  	s5 =	simm.s32 @p1 $0x1;
	p0 =	seq.s32 s7, s2  }
0x1e: {  	s7 =	smul.u32 @!p0 $0xF7A, s2;
	p2 =	seq.s32 @!p0 s5, $0x0  }
0x1f: {  	s9 =	smul.u32 $0xF7A, s1;
	s8 =	simm.s32 @!p0 $0x1BF5;
	p2 =	por !p2, p0  }
0x20: {  	[sflag:s8] =	ssyncset.s32 @!p0 $0xFFFFF086;
	s6 =	sadd.s32 @!p0 s3, s7;
	s7 =	simm.s32 @!p0 $0x108  }
0x21: {  	s3 =	sadd.s32 s3, s9;
	s6 =	sadd.s32 @!p0 $0x88, s6;
	s7 =	simm.s32 @p2 $0x1082  }
0x22: {  	[simem:s7], [sflag:s8] =	dma.local @!p0 [hbm:s6], $0xF7A  }
0x23: {  	s9 =	sor.u32 $0xD0000000, s2;
	s6 =	simm.s32 $0x108;
	_ =	swait.ge @!p0 [sflag:s8], $0x0  }
0x24: {  	s3 =	sadd.s32 $0x88, s3;
	s6 =	simm.s32 @!p1 $0x1082;
	[sflag:s4] =	ssyncset.s32 $0xFFFFF086  }
0x25: {  	[simem:s6], [sflag:s4] =	dma.local [hbm:s3], $0xF7A  }
0x26: {  	[smem:$0x3F99] =	sst s1;
	(tag) =	ssettag s2;
	_ =	strace s9  }
0x27: {  	s1 =	sld [smem:$0x3FA9]  }
0x28: {  	s2 =	sld [smem:$0x3FAA]  }
0x29: {  	s4 =	sld [smem:$0x3FAC]  }
0x2a: {  	p0 =	seq.s32 s5, $0x0;
	s5 =	sld [smem:$0x3FAD]  }
0x2b: {  	s6 =	sld [smem:$0x3FAE]  }
0x2c: {  	s7 =	sld [smem:$0x3FAF]  }
0x2d: {  	s3 =	simm.s32 $0x108;
	s8 =	sld [smem:$0x3FB0]  }
0x2e: {  	s3 =	simm.s32 @!p0 $0x1082;
	s9 =	sld [smem:$0x3FB1]  }
0x2f: {  	lr =	sadd.s32 s0, s3;
	s0 =	sld [smem:$0x3FA8]  }
0x30: {  	s3 =	sld [smem:$0x3FAB]  }
0x31: {  	[smem:$0x3FB4] =	sst s10  }
0x32: {  	s10 =	sld [smem:$0x3FB2];
	_ =	sdelay $0x3  }
0x33: {  	p0 =	seq.s32 s10, $0x1;
	s10 =	sld [smem:$0x3FB4];
	_ =	sdelay $0x3  }
0x34: {  	[smem:$0x3FB4] =	sst s10  }
0x35: {  	s10 =	sld [smem:$0x3FB3];
	_ =	sdelay $0x3  }
0x36: {  	p1 =	seq.s32 s10, $0x1;
	s10 =	sld [smem:$0x3FB4];
	_ =	sdelay $0x3  }
0x37: {  	[smem:$0x3FB4] =	sst s10  }
0x38: {  	s10 =	sld [smem:$0x3FB5]  }
0x39: {  	_ = 	snop;
	(pc) =	sbr.ind lr, $3  }
0x3a: {  	_ = 	snop  }
0x3b: {  	_ = 	snop  }
0x3c: {  	p2 =	seq.s32 s10, $0x1;
	s10 =	sld [smem:$0x3FB4]  }
0x3d: {  	_ =	shalt  }
0x3e: {  	_ =	shalt  }
0x3f: {  	_ =	shalt  }
0x40: {  	_ =	shalt  }
0x41: {  	_ =	shalt  }
0x42: {  	_ =	shalt  }
0x43: {  	_ =	shalt  }
0x44: {  	_ =	shalt  }
0x45: {  	_ =	shalt  }
0x46: {  	_ =	shalt  }
0x47: {  	_ =	shalt  }
0x48: {  	_ =	shalt  }
0x49: {  	_ =	shalt  }
0x4a: {  	_ =	shalt  }
0x4b: {  	_ =	shalt  }
0x4c: {  	_ =	shalt  }
0x4d: {  	_ =	shalt  }
0x4e: {  	_ =	shalt  }
0x4f: {  	_ =	shalt  }
0x50: {  	_ =	shalt  }
0x51: {  	_ =	shalt  }
0x52: {  	_ =	shalt  }
0x53: {  	_ =	shalt  }
0x54: {  	_ =	shalt  }
0x55: {  	_ =	shalt  }
0x56: {  	_ =	shalt  }
0x57: {  	_ =	shalt  }
0x58: {  	_ =	shalt  }
0x59: {  	_ =	shalt  }
0x5a: {  	_ =	shalt  }
0x5b: {  	_ =	shalt  }
0x5c: {  	_ =	shalt  }
0x5d: {  	_ =	shalt  }
0x5e: {  	_ =	shalt  }
0x5f: {  	_ =	shalt  }
0x60: {  	_ =	shalt  }
0x61: {  	_ =	shalt  }
0x62: {  	_ =	shalt  }
0x63: {  	_ =	shalt  }
0x64: {  	_ =	shalt  }
0x65: {  	_ =	shalt  }
0x66: {  	_ =	shalt  }
0x67: {  	_ =	shalt  }
0x68: {  	_ =	shalt  }
0x69: {  	_ =	shalt  }
0x6a: {  	_ =	shalt  }
0x6b: {  	_ =	shalt  }
0x6c: {  	_ =	shalt  }
0x6d: {  	_ =	shalt  }
0x6e: {  	_ =	shalt  }
0x6f: {  	_ =	shalt  }
0x70: {  	_ =	shalt  }
0x71: {  	_ =	shalt  }
0x72: {  	_ =	shalt  }
0x73: {  	_ =	shalt  }
0x74: {  	_ =	shalt  }
0x75: {  	_ =	shalt  }
0x76: {  	_ =	shalt  }
0x77: {  	_ =	shalt  }
0x78: {  	_ =	shalt  }
0x79: {  	_ =	shalt  }
0x7a: {  	_ =	shalt  }
0x7b: {  	_ =	shalt  }
0x7c: {  	_ =	shalt  }
0x7d: {  	_ =	shalt  }
0x7e: {  	_ =	shalt  }
0x7f: {  	_ =	shalt  }
0x80: {  	_ =	shalt  }
0x81: {  	_ =	shalt  }
0x82: {  	_ =	shalt  }
0x83: {  	_ =	shalt  }
0x84: {  	_ =	shalt  }
0x85: {  	_ =	shalt  }
0x86: {  	_ =	shalt  }
0x87: {  	_ =	shalt  }
.Lfunc_end0:
.L_simem_size_0:
called_computation_lowered:
.L_overlay_start_0:
0x88: {  	s2 =	sld [smem:$0x3FD9]  }
0x89: {  	s3 =	sld [smem:$0x3FFE];
	_ =	sdelay $0x1  }
0x8a: {  	s1 =	srdreg.scid  }
0x8b: {  	s0 =	sand.u32 $0x1, s1  }
0x8c: {  	s17 =	sshll.u32 s0, $0xA;
	s2 =	sadd.s32 s3, s2  }
0x8d: {  	s2 =	sadd.s32 s2, s17  }
0x8e: {  	[smem:$0x3FC0] =	sst s2  }
0x8f: {  	_ = 	snop  }
0x90: {  	s2 =	sld [smem:$0x3FC9];
	(tm) =	ssettm $0x1  }
0x91: {  	s18 =	sld [smem:$0x3FFB];
	_ =	sdelay $0x3  }
0x92: {  	_ =	strace s18  }
0x93: {  	s3 =	sld [smem:$0x3FFC];
	_ =	sdelay $0x3  }
0x94: {  	_ =	strace s3  }
0x95: {  	s3 =	sld [smem:$0x3FFD];
	_ =	sdelay $0x3  }
0x96: {  	_ =	strace s3  }
0x97: {  	_ =	strace $0x8FFFFFFF  }
0x98: {  	s19 =	sld [smem:$0x3FDB];
	_ =	sdelay $0x1  }
0x99: {  	s4 =	simm.s32 $_scs_section_size  }
0x9a: {  	s5 =	simm.s32 $_size__tile_overlayer_lowered;
	s6 =	simm.s32 $_tile_overlayer_lowered  }
0x9b: {  	s22 =	simm.s32 $0x1BFF;
	s21 =	sshll.u32 s6, $0x1;
	s3 =	sadd.s32 s4, s19  }
0x9c: {  	s7 =	simm.s32 $0x0;
	s20 =	sshll.u32 s5, $0x1;
	s5 =	sadd.s32 s21, s3  }
0x9d: {  	[timem:s7], [sflag:s22] =	dma.local [hbm:s5], s20  }
0x9e: {  	_ =	swait.ge [sflag:s22], s20  }
0x9f: {  	s4 =	ssub.s32 $0x0, s20;
	[sflag:s22] =	ssyncset.done $0x0  }
0xa0: {  	[sflag:s22] =	ssyncadd.s32 s4;
	_ =	sdelay $0x1  }
0xa1: {  	s23 =	simm.s32 $0x1B8B  }
0xa2: {  	_ =	swait.ge [sflag:s23], $0x1  }
0xa3: {  	[sflag:s23] =	ssyncset.done $0x0  }
0xa4: {  	s25 =	simm.s32 $0x1B8E;
	s24 =	sld [smem:$0x3FFE];
	[sflag:s23] =	ssyncadd.s32 $0xFFFFFFFF  }
0xa5: {  	s26 =	simm.s32 $execute0_lowered;
	[smem:$0x3FD2] =	sst s25  }
0xa6: {  	s5 =	sshll.u32 s26, $0x1;
	_ =	strace $0x80000046;
	[dreg:$0x1] =	wrdreg $0xFFFFFFFF  }
0xa7: {  	s28 =	simm.s32 $_size_execute0_lowered;
	s3 =	sadd.s32 s3, s5;
	[dreg:$0x0] =	wrdreg $0x0  }
0xa8: {  	s5 =	sshll.u32 s28, $0x1;
	[dreg:$0x2] =	wrdreg s3  }
0xa9: {  	[dreg:$0x3] =	wrdreg s5  }
0xaa: {  	[dreg:$0x4] =	wrdreg $0xC0  }
0xab: {  	_ =	task [dreg:s7], $0x5FFFF  }
0xac: {  	[dreg:$0x1] =	wrdreg $0xFFFFFFFF  }
0xad: {  	[dreg:$0x0] =	wrdreg $0x60  }
0xae: {  	[dreg:$0x2] =	wrdreg s2  }
0xaf: {  	[dreg:$0x3] =	wrdreg s24  }
0xb0: {  	[dreg:$0x4] =	wrdreg $0x9  }
0xb1: {  	_ =	task.clear_ibuf [dreg:s7], $0x5FFFF;
	_ =	strace $0x90000046  }
0xb2: {  	s29 =	simm.s32 $0x9;
	_ =	strace $0x80000048  }
0xb3: {  	_ =	swait.ge [sflag:s29], $0x1  }
0xb4: {  	[sflag:s29] =	ssyncadd.s32 $0xFFFFFFFF  }
0xb5: {  	_ =	strace $0x90000048  }
0xb6: {  	_ =	sfence  }
0xb7: {  	s30 =	sld [smem:$0x0];
	_ =	sdelay $0x2  }
0xb8: {  	s31 =	sshll.u32 s1, $0xD;
	s1 =	sshrl.u32 s1, $0x2  }
0xb9: {  	s3 =	sand.u32 $0x4000, s31;
	s1 =	sadd.s32 s1, s30  }
0xba: {  	s0 =	sor.u32 s3, s0;
	s1 =	sshll.u32 s1, $0x11  }
0xbb: {  	s0 =	sor.u32 s1, s0  }
0xbc: {  	s0 =	sadd.s32 $0x8F2B, s0  }
0xbd: {  	[sflag:s0] =	ssyncadd.remote.s32 $0x1  }
0xbe: {  	_ =	sfence.sel $0xFFFF  }
0xbf: {  	[dreg:$0x0] =	wrdreg $0xFFFFFFFF;
	(pc) =	sbr.abs _section_cstart, $3  }
0xc0: {  	[dreg:$0x1] =	wrdreg $0xFFFFFFFF  }
0xc1: {  	_ =	task.clear_ibuf [dreg:s7], $0x2FFFF;
	_ =	strace $0x9FFFFFFF  }
0xc2: {  	(tm) =	ssettm $0x7FFFFFFF  }
0xc3: {  	_ =	shalt  }
tec
execute0_lowered:
.L_overlay_start_1:
0x0: {  	(tag) =	ssettag $0x1  }
0x1: {  	s1 =	srdreg.scid  }
0x2: {  	s3 =	rddreg [dreg:$0x0];
	s0 =	stileid.u32  }
0x3: {  	s5 =	rddreg [dreg:$0x1];
	s2 =	simm.s32 $0x0;
	s8 =	simm.s32 $0x80  }
0x4: {  	s26 =	simm.s32 $0x880;
	s9 =	simm.s32 $0x1080;
	s10 =	simm.s32 $0x1880  }
0x5: {  	s11 =	simm.s32 $0x2080;
	s12 =	simm.s32 $0x2880;
	s13 =	simm.s32 $0x3080  }
0x6: {  	s14 =	simm.s32 $0x3880;
	s15 =	simm.s32 $0x4080;
	s16 =	simm.s32 $0x4880  }
0x7: {  	s17 =	simm.s32 $0x5080;
	s18 =	simm.s32 $0x5880;
	s19 =	simm.s32 $0x6080  }
0x8: {  	s20 =	simm.s32 $0x6880;
	s21 =	simm.s32 $0x7080;
	s22 =	simm.s32 $0x7880  }
0x9: {  	s23 =	simm.s32 $0x8080;
	s24 =	simm.s32 $0x8880;
	s25 =	simm.s32 $0x9080  }
0xa: {  	s28 =	simm.s32 $0xA080;
	s29 =	simm.s32 $0xA880;
	s30 =	simm.s32 $0xB080  }
0xb: {  	s31 =	simm.s32 $0xB880;
	s1 =	sand.u32 $0x1, s1;
	[smem:$0x7FF] =	sst s2  }
0xc: {  	s4 =	sshll.u32 s0, $0x4;
	s6 =	sshll.u32 s1, $0x3;
	_ =	strace $0x80000047  }
0xd: {  	s1 =	ssub.s32 $0x2, s1;
	[dreg:$0x5] =	wrdreg s26;
	s4 =	sor.u32 s6, s4  }
0xe: {  	s7 =	sshrl.u32 s1, $0x1;
	s6 =	sadd.s32 s4, s5;
	s4 =	smul.u32 $0x300, s4  }
0xf: {  	s26 =	simm.s32 $0x9880;
	s1 =	ssub.s32 s1, s7;
	s6 =	sadd.s32 $0x1800, s6  }
0x10: {  	v2 =	vlaneseq.u32;
	s7 =	simm.s32 $0x2;
	[dreg:$0x3] =	wrdreg s6;
	s4 =	sadd.s32 s3, s4  }
0x11: {  	vm0 =	vmmov $0xffff;
	v1 =	vshrl.u32 v2, $0x3;
	s3 =	sadd.s32 $0x1A00, s5;
	s6 =	smax.u32 s1, $0x1;
	s1 =	simm.s32 $0x1  }
0x12: {  	v0 =	vand.u32 $0x7, v2;
	v2 =	vor.u32 $0x8, v2;
	v1 =	vmul.u32 $0x8, v1;
	[dreg:$0x4] =	wrdreg s4;
	s4 =	sadd.s32 $0x1B00, s5;
	s5 =	sadd.s32 $0x1C00, s5  }
.LBB2_1:
0x13: {  	s0 =	rddreg [dreg:$0x3]  }
0x14: {  	[tilespmem:s2], [sflag:$0x2] =	stream.linear.gather [hbm4b:s0+s2], $0x40, $0x38;
	[tilespmem:$0xC080] =	vst v63  }
0x15: {  	_ =	swait.ge [sflag:s7], $0x40  }
0x16: {  	[sflag:s7] =	ssyncset.done $0x0  }
0x17: {  	s0 =	rddreg [dreg:$0x4];
	[sflag:s7] =	ssyncadd.s32 $0xFFFFFFC0  }
0x18: {  	[tilespmem:s8], [sflag:$0x2] =	stream.linear.gather [hbm4b:s0+s2], $0xC000, $0x38;
	[tilespmem:$0xC080] =	vst v63  }
0x19: {  	_ =	swait.ge [sflag:s7], $0xC000  }
0x1a: {  	[sflag:s7] =	ssyncset.done $0x0  }
0x1b: {  	[sflag:s7] =	ssyncadd.s32 $0xFFFF4000  }
0x1c: {  	v3 =	vld [tilespmem:$0x0];
	_ =	sdelay $0x4  }
0x1d: {  	v4 =	vshrl.u32 v3, $0x3  }
0x1e: {  	v4 =	vmul.u32 $0x30, v4  }
0x1f: {  	v3 =	vand.u32 $0x7, v3  }
0x20: {  	v3 =	vor.u32 v3, v4  }
0x21: {  	v4 =	vperm.xlane v3, v0;
	_ =	sdelay $0x1  }
0x22: {  	v4 =	vadd.s32 v1, v4;
	_ =	sdelay $0x3  }
0x23: {  	v3 =	vperm.xlane v3, v2  }
0x24: {  	[hbm4b:s3+s2] =	stream.indirect_vreg.scatter [tilespmem:s8], [sflag:$0x1], $0x80, v4, vm0, $0xb8;
	[tilespmem:$0xC080] =	vst v63  }
0x25: {  	s0 =	rddreg [dreg:$0x5];
	v3 =	vadd.s32 v1, v3  }
0x26: {  	[hbm4b:s4+s2] =	stream.indirect_vreg.scatter [tilespmem:s0], [sflag:$0x1], $0x80, v4, vm0, $0xb8;
	[tilespmem:$0xC080] =	vst v63  }
0x27: {  	_ = 	snop  }
0x28: {  	[hbm4b:s5+s2] =	stream.indirect_vreg.scatter [tilespmem:s9], [sflag:$0x1], $0x80, v4, vm0, $0xb8;
	[tilespmem:$0xC080] =	vst v63  }
0x29: {  	_ = 	snop  }
0x2a: {  	[hbm4b:s3+s2] =	stream.indirect_vreg.scatter [tilespmem:s10], [sflag:$0x1], $0x80, v3, vm0, $0xb8;
	[tilespmem:$0xC080] =	vst v63  }
0x2b: {  	_ = 	snop  }
0x2c: {  	[hbm4b:s4+s2] =	stream.indirect_vreg.scatter [tilespmem:s11], [sflag:$0x1], $0x80, v3, vm0, $0xb8;
	[tilespmem:$0xC080] =	vst v63  }
0x2d: {  	_ = 	snop  }
0x2e: {  	[hbm4b:s5+s2] =	stream.indirect_vreg.scatter [tilespmem:s12], [sflag:$0x1], $0x80, v3, vm0, $0xb8;
	[tilespmem:$0xC080] =	vst v63  }
0x2f: {  	v3 =	vld [tilespmem:$0x10];
	_ =	sdelay $0x4  }
0x30: {  	v61 =	vshrl.u32 v3, $0x3  }
0x31: {  	v4 =	vmul.u32 $0x30, v61  }
0x32: {  	v3 =	vand.u32 $0x7, v3  }
0x33: {  	v3 =	vor.u32 v3, v4  }
0x34: {  	v4 =	vperm.xlane v3, v0;
	_ =	sdelay $0x1  }
0x35: {  	v4 =	vadd.s32 v1, v4;
	_ =	sdelay $0x3  }
0x36: {  	v3 =	vperm.xlane v3, v2  }
0x37: {  	[hbm4b:s3+s2] =	stream.indirect_vreg.scatter [tilespmem:s13], [sflag:$0x1], $0x80, v4, vm0, $0xb8;
	[tilespmem:$0xC080] =	vst v63  }
0x38: {  	v3 =	vadd.s32 v1, v3  }
0x39: {  	[hbm4b:s4+s2] =	stream.indirect_vreg.scatter [tilespmem:s14], [sflag:$0x1], $0x80, v4, vm0, $0xb8;
	[tilespmem:$0xC080] =	vst v63  }
0x3a: {  	_ = 	snop  }
0x3b: {  	[hbm4b:s5+s2] =	stream.indirect_vreg.scatter [tilespmem:s15], [sflag:$0x1], $0x80, v4, vm0, $0xb8;
	[tilespmem:$0xC080] =	vst v63  }
0x3c: {  	_ = 	snop  }
0x3d: {  	[hbm4b:s3+s2] =	stream.indirect_vreg.scatter [tilespmem:s16], [sflag:$0x1], $0x80, v3, vm0, $0xb8;
	[tilespmem:$0xC080] =	vst v63  }
0x3e: {  	_ = 	snop  }
0x3f: {  	[hbm4b:s4+s2] =	stream.indirect_vreg.scatter [tilespmem:s17], [sflag:$0x1], $0x80, v3, vm0, $0xb8;
	[tilespmem:$0xC080] =	vst v63  }
0x40: {  	_ = 	snop  }
0x41: {  	[hbm4b:s5+s2] =	stream.indirect_vreg.scatter [tilespmem:s18], [sflag:$0x1], $0x80, v3, vm0, $0xb8;
	[tilespmem:$0xC080] =	vst v63  }
0x42: {  	v3 =	vld [tilespmem:$0x20];
	_ =	sdelay $0x4  }
0x43: {  	v62 =	vshrl.u32 v3, $0x3  }
0x44: {  	v4 =	vmul.u32 $0x30, v62  }
0x45: {  	v3 =	vand.u32 $0x7, v3  }
0x46: {  	v3 =	vor.u32 v3, v4  }
0x47: {  	v4 =	vperm.xlane v3, v0;
	_ =	sdelay $0x1  }
0x48: {  	v4 =	vadd.s32 v1, v4;
	_ =	sdelay $0x3  }
0x49: {  	v3 =	vperm.xlane v3, v2  }
0x4a: {  	[hbm4b:s3+s2] =	stream.indirect_vreg.scatter [tilespmem:s19], [sflag:$0x1], $0x80, v4, vm0, $0xb8;
	[tilespmem:$0xC080] =	vst v63  }
0x4b: {  	v3 =	vadd.s32 v1, v3  }
0x4c: {  	[hbm4b:s4+s2] =	stream.indirect_vreg.scatter [tilespmem:s20], [sflag:$0x1], $0x80, v4, vm0, $0xb8;
	[tilespmem:$0xC080] =	vst v63  }
0x4d: {  	_ = 	snop  }
0x4e: {  	[hbm4b:s5+s2] =	stream.indirect_vreg.scatter [tilespmem:s21], [sflag:$0x1], $0x80, v4, vm0, $0xb8;
	[tilespmem:$0xC080] =	vst v63  }
0x4f: {  	_ = 	snop  }
0x50: {  	[hbm4b:s3+s2] =	stream.indirect_vreg.scatter [tilespmem:s22], [sflag:$0x1], $0x80, v3, vm0, $0xb8;
	[tilespmem:$0xC080] =	vst v63  }
0x51: {  	_ = 	snop  }
0x52: {  	[hbm4b:s4+s2] =	stream.indirect_vreg.scatter [tilespmem:s23], [sflag:$0x1], $0x80, v3, vm0, $0xb8;
	[tilespmem:$0xC080] =	vst v63  }
0x53: {  	_ = 	snop  }
0x54: {  	[hbm4b:s5+s2] =	stream.indirect_vreg.scatter [tilespmem:s24], [sflag:$0x1], $0x80, v3, vm0, $0xb8;
	[tilespmem:$0xC080] =	vst v63  }
0x55: {  	v3 =	vld [tilespmem:$0x30];
	_ =	sdelay $0x4  }
0x56: {  	v63 =	vshrl.u32 v3, $0x3  }
0x57: {  	v4 =	vmul.u32 $0x30, v63  }
0x58: {  	v3 =	vand.u32 $0x7, v3  }
0x59: {  	v3 =	vor.u32 v3, v4  }
0x5a: {  	v4 =	vperm.xlane v3, v0;
	_ =	sdelay $0x1  }
0x5b: {  	v4 =	vadd.s32 v1, v4;
	_ =	sdelay $0x3  }
0x5c: {  	v3 =	vperm.xlane v3, v2  }
0x5d: {  	[hbm4b:s3+s2] =	stream.indirect_vreg.scatter [tilespmem:s25], [sflag:$0x1], $0x80, v4, vm0, $0xb8;
	[tilespmem:$0xC080] =	vst v63  }
0x5e: {  	v3 =	vadd.s32 v1, v3  }
0x5f: {  	[hbm4b:s4+s2] =	stream.indirect_vreg.scatter [tilespmem:s26], [sflag:$0x1], $0x80, v4, vm0, $0xb8;
	[tilespmem:$0xC080] =	vst v63  }
0x60: {  	_ = 	snop  }
0x61: {  	[hbm4b:s5+s2] =	stream.indirect_vreg.scatter [tilespmem:s28], [sflag:$0x1], $0x80, v4, vm0, $0xb8;
	[tilespmem:$0xC080] =	vst v63  }
0x62: {  	_ = 	snop  }
0x63: {  	[hbm4b:s3+s2] =	stream.indirect_vreg.scatter [tilespmem:s29], [sflag:$0x1], $0x80, v3, vm0, $0xb8;
	[tilespmem:$0xC080] =	vst v63  }
0x64: {  	p0 =	sne.s32 s6, $0x1  }
0x65: {  	[hbm4b:s4+s2] =	stream.indirect_vreg.scatter [tilespmem:s30], [sflag:$0x1], $0x80, v3, vm0, $0xb8;
	[tilespmem:$0xC080] =	vst v63  }
.Ltmp0:
0x66: {  	_ = 	snop;
	(pc) =	sbr.rel @p0 .LBB2_1-.Ltmp0, $4  }
0x67: {  	[hbm4b:s5+s2] =	stream.indirect_vreg.scatter [tilespmem:s31], [sflag:$0x1], $0x80, v3, vm0, $0xb8;
	[tilespmem:$0xC080] =	vst v63  }
0x68: {  	_ =	swait.ge [sflag:s1], $0xC000  }
0x69: {  	[sflag:s1] =	ssyncset.done $0x0  }
0x6a: {  	s6 =	sadd.s32 $0xFFFFFFFF, s6;
	[sflag:s1] =	ssyncadd.s32 $0xFFFF4000  }
0x6b: {  	_ =	sfence.sel $0x180000  }
0x6c: {  	[bflag:$0x0] =	sbarrier.arrive $0xFFFF  }
0x6d: {  	_ =	strace $0x90000047  }
0x6e: {  	s0 =	stileid.u32;
	[bflag:$0x2] =	sbarrier.arrive $0xFFFF  }
0x6f: {  	p0 =	sne.s32 s0, $0x0;
	s0 =	rddreg [dreg:$0x2]  }
0x70: {  	s0 =	sadd.s32 @!p0 $0x100000, s0  }
0x71: {  	[sflag:s0] =	ssyncadd.tile.s32 @!p0 $0x1;
	_ =	shalt  }
.Lfunc_end2:
_tile_overlayer_lowered:
.L_overlay_start_2:
0x72: {  	(tag) =	ssettag $0x2  }
0x73: {  	s0 =	rddreg [dreg:$0x0];
	s2 =	stileid.u32  }
0x74: {  	s1 =	rddreg [dreg:$0x1];
	p0 =	sne.s32 s2, $0x0  }
0x75: {  	s3 =	rddreg [dreg:$0x2];
	[bflag:$0x3] =	sbarrier.arrive $0xFFFF;
	s2 =	simm.s32 @!p0 $0x1C02  }
0x76: {  	[timem:s3], [sflag:s2] =	dma.local @!p0 [hbm:s0], s1  }
0x77: {  	s0 =	simm.s32 @!p0 $0x2  }
0x78: {  	_ =	swait.ge @!p0 [sflag:s0], s1  }
0x79: {  	s1 =	ssub.s32 @!p0 $0x0, s1;
	[sflag:s0] =	ssyncset.done @!p0 $0x0  }
0x7a: {  	[sflag:s0] =	ssyncadd.s32 @!p0 s1  }
0x7b: {  	[bflag:$0x3] =	sbarrier.arrive $0xFFFF  }
0x7c: {  	_ =	shalt  }

// kernel: kernel.9.cloned.1.call-start
scs
__scs_entry_jumppad:
0x0: {  	(pc) =	sbr.rel $0x88, $3  }
0x1: {  	(tag) =	ssettag $0x0;
	lr =	simm.s32 $0x1  }
0x2: {  	[smem:$0x3F99] =	sst lr;
	_ =	strace $0xD0000000  }
0x3: {  	_ = 	snop  }
0x4: {  	_ = 	snop  }
0x5: {  	_ = 	snop  }
0x6: {  	_ = 	snop  }
0x7: {  	_ = 	snop  }
__scs_overlays_trampoline_lowered:
0x8: {  	[smem:$0x3FA8] =	sst s0  }
0x9: {  	[smem:$0x3FA9] =	sst s1  }
0xa: {  	[smem:$0x3FAA] =	sst s2  }
0xb: {  	[smem:$0x3FAB] =	sst s3  }
0xc: {  	[smem:$0x3FAC] =	sst s4  }
0xd: {  	[smem:$0x3FAD] =	sst s5  }
0xe: {  	[smem:$0x3FAE] =	sst s6  }
0xf: {  	[smem:$0x3FAF] =	sst s7  }
0x10: {  	[smem:$0x3FB0] =	sst s8  }
0x11: {  	[smem:$0x3FB1] =	sst s9;
	s0 =	simm.s32 @!p0 $0x0  }
0x12: {  	s1 =	sld [smem:$0x3F97];
	s0 =	simm.s32 @p0 $0x1  }
0x13: {  	[smem:$0x3FB2] =	sst s0;
	s0 =	simm.s32 @!p1 $0x0  }
0x14: {  	s2 =	sld [smem:$0x3F96];
	s0 =	simm.s32 @p1 $0x1  }
0x15: {  	[smem:$0x3FB3] =	sst s0;
	s0 =	simm.s32 @!p2 $0x0  }
0x16: {  	s3 =	sld [smem:$0x3FDB];
	s0 =	simm.s32 @p2 $0x1  }
0x17: {  	s4 =	simm.s32 $0x1BF5;
	[smem:$0x3FB5] =	sst s0  }
0x18: {  	s0 =	sld [smem:$0x3F98];
	_ =	swait.ge [sflag:s4], $0x0  }
0x19: {  	s7 =	sld [smem:$0x3F99]  }
0x1a: {  	s8 =	sadd.s32 $0xFFFFE003, lr  }
0x1b: {  	s9 =	sadd.s32 $0xFFFFFEF7, lr;
	s5 =	simm.s32 $0xFFFFFFFF;
	p2 =	slt.u32 s8, $0xFFFFF086  }
0x1c: {  	p1 =	slt.u32 s9, $0xF7A;
	s5 =	simm.s32 @!p2 $0x0  }
0x1d: {  	s5 =	simm.s32 @p1 $0x1;
	p0 =	seq.s32 s7, s2  }
0x1e: {  	s7 =	smul.u32 @!p0 $0xF7A, s2;
	p2 =	seq.s32 @!p0 s5, $0x0  }
0x1f: {  	s9 =	smul.u32 $0xF7A, s1;
	s8 =	simm.s32 @!p0 $0x1BF5;
	p2 =	por !p2, p0  }
0x20: {  	[sflag:s8] =	ssyncset.s32 @!p0 $0xFFFFF086;
	s6 =	sadd.s32 @!p0 s3, s7;
	s7 =	simm.s32 @!p0 $0x108  }
0x21: {  	s3 =	sadd.s32 s3, s9;
	s6 =	sadd.s32 @!p0 $0x88, s6;
	s7 =	simm.s32 @p2 $0x1082  }
0x22: {  	[simem:s7], [sflag:s8] =	dma.local @!p0 [hbm:s6], $0xF7A  }
0x23: {  	s9 =	sor.u32 $0xD0000000, s2;
	s6 =	simm.s32 $0x108;
	_ =	swait.ge @!p0 [sflag:s8], $0x0  }
0x24: {  	s3 =	sadd.s32 $0x88, s3;
	s6 =	simm.s32 @!p1 $0x1082;
	[sflag:s4] =	ssyncset.s32 $0xFFFFF086  }
0x25: {  	[simem:s6], [sflag:s4] =	dma.local [hbm:s3], $0xF7A  }
0x26: {  	[smem:$0x3F99] =	sst s1;
	(tag) =	ssettag s2;
	_ =	strace s9  }
0x27: {  	s1 =	sld [smem:$0x3FA9]  }
0x28: {  	s2 =	sld [smem:$0x3FAA]  }
0x29: {  	s4 =	sld [smem:$0x3FAC]  }
0x2a: {  	p0 =	seq.s32 s5, $0x0;
	s5 =	sld [smem:$0x3FAD]  }
0x2b: {  	s6 =	sld [smem:$0x3FAE]  }
0x2c: {  	s7 =	sld [smem:$0x3FAF]  }
0x2d: {  	s3 =	simm.s32 $0x108;
	s8 =	sld [smem:$0x3FB0]  }
0x2e: {  	s3 =	simm.s32 @!p0 $0x1082;
	s9 =	sld [smem:$0x3FB1]  }
0x2f: {  	lr =	sadd.s32 s0, s3;
	s0 =	sld [smem:$0x3FA8]  }
0x30: {  	s3 =	sld [smem:$0x3FAB]  }
0x31: {  	[smem:$0x3FB4] =	sst s10  }
0x32: {  	s10 =	sld [smem:$0x3FB2];
	_ =	sdelay $0x3  }
0x33: {  	p0 =	seq.s32 s10, $0x1;
	s10 =	sld [smem:$0x3FB4];
	_ =	sdelay $0x3  }
0x34: {  	[smem:$0x3FB4] =	sst s10  }
0x35: {  	s10 =	sld [smem:$0x3FB3];
	_ =	sdelay $0x3  }
0x36: {  	p1 =	seq.s32 s10, $0x1;
	s10 =	sld [smem:$0x3FB4];
	_ =	sdelay $0x3  }
0x37: {  	[smem:$0x3FB4] =	sst s10  }
0x38: {  	s10 =	sld [smem:$0x3FB5]  }
0x39: {  	_ = 	snop;
	(pc) =	sbr.ind lr, $3  }
0x3a: {  	_ = 	snop  }
0x3b: {  	_ = 	snop  }
0x3c: {  	p2 =	seq.s32 s10, $0x1;
	s10 =	sld [smem:$0x3FB4]  }
0x3d: {  	_ =	shalt  }
0x3e: {  	_ =	shalt  }
0x3f: {  	_ =	shalt  }
0x40: {  	_ =	shalt  }
0x41: {  	_ =	shalt  }
0x42: {  	_ =	shalt  }
0x43: {  	_ =	shalt  }
0x44: {  	_ =	shalt  }
0x45: {  	_ =	shalt  }
0x46: {  	_ =	shalt  }
0x47: {  	_ =	shalt  }
0x48: {  	_ =	shalt  }
0x49: {  	_ =	shalt  }
0x4a: {  	_ =	shalt  }
0x4b: {  	_ =	shalt  }
0x4c: {  	_ =	shalt  }
0x4d: {  	_ =	shalt  }
0x4e: {  	_ =	shalt  }
0x4f: {  	_ =	shalt  }
0x50: {  	_ =	shalt  }
0x51: {  	_ =	shalt  }
0x52: {  	_ =	shalt  }
0x53: {  	_ =	shalt  }
0x54: {  	_ =	shalt  }
0x55: {  	_ =	shalt  }
0x56: {  	_ =	shalt  }
0x57: {  	_ =	shalt  }
0x58: {  	_ =	shalt  }
0x59: {  	_ =	shalt  }
0x5a: {  	_ =	shalt  }
0x5b: {  	_ =	shalt  }
0x5c: {  	_ =	shalt  }
0x5d: {  	_ =	shalt  }
0x5e: {  	_ =	shalt  }
0x5f: {  	_ =	shalt  }
0x60: {  	_ =	shalt  }
0x61: {  	_ =	shalt  }
0x62: {  	_ =	shalt  }
0x63: {  	_ =	shalt  }
0x64: {  	_ =	shalt  }
0x65: {  	_ =	shalt  }
0x66: {  	_ =	shalt  }
0x67: {  	_ =	shalt  }
0x68: {  	_ =	shalt  }
0x69: {  	_ =	shalt  }
0x6a: {  	_ =	shalt  }
0x6b: {  	_ =	shalt  }
0x6c: {  	_ =	shalt  }
0x6d: {  	_ =	shalt  }
0x6e: {  	_ =	shalt  }
0x6f: {  	_ =	shalt  }
0x70: {  	_ =	shalt  }
0x71: {  	_ =	shalt  }
0x72: {  	_ =	shalt  }
0x73: {  	_ =	shalt  }
0x74: {  	_ =	shalt  }
0x75: {  	_ =	shalt  }
0x76: {  	_ =	shalt  }
0x77: {  	_ =	shalt  }
0x78: {  	_ =	shalt  }
0x79: {  	_ =	shalt  }
0x7a: {  	_ =	shalt  }
0x7b: {  	_ =	shalt  }
0x7c: {  	_ =	shalt  }
0x7d: {  	_ =	shalt  }
0x7e: {  	_ =	shalt  }
0x7f: {  	_ =	shalt  }
0x80: {  	_ =	shalt  }
0x81: {  	_ =	shalt  }
0x82: {  	_ =	shalt  }
0x83: {  	_ =	shalt  }
0x84: {  	_ =	shalt  }
0x85: {  	_ =	shalt  }
0x86: {  	_ =	shalt  }
0x87: {  	_ =	shalt  }
.Lfunc_end0:
.L_simem_size_0:
called_computation.1_lowered:
.L_overlay_start_0:
0x88: {  	s2 =	sld [smem:$0x3FD9]  }
0x89: {  	s3 =	sld [smem:$0x3FFE];
	_ =	sdelay $0x1  }
0x8a: {  	s1 =	srdreg.scid  }
0x8b: {  	s0 =	sand.u32 $0x1, s1  }
0x8c: {  	s17 =	sshll.u32 s0, $0xA;
	s2 =	sadd.s32 s3, s2  }
0x8d: {  	s2 =	sadd.s32 s2, s17  }
0x8e: {  	[smem:$0x3FC0] =	sst s2  }
0x8f: {  	_ = 	snop  }
0x90: {  	s2 =	sld [smem:$0x3FD0];
	(tm) =	ssettm $0x1  }
0x91: {  	s18 =	sld [smem:$0x3FFB];
	_ =	sdelay $0x3  }
0x92: {  	_ =	strace s18  }
0x93: {  	s3 =	sld [smem:$0x3FFC];
	_ =	sdelay $0x3  }
0x94: {  	_ =	strace s3  }
0x95: {  	s3 =	sld [smem:$0x3FFD];
	_ =	sdelay $0x3  }
0x96: {  	_ =	strace s3  }
0x97: {  	_ =	strace $0x8FFFFFFF  }
0x98: {  	s19 =	sld [smem:$0x3FDB];
	_ =	sdelay $0x1  }
0x99: {  	s4 =	simm.s32 $_scs_section_size  }
0x9a: {  	s5 =	simm.s32 $_size__tile_overlayer_lowered;
	s6 =	simm.s32 $_tile_overlayer_lowered  }
0x9b: {  	s22 =	simm.s32 $0x1BFF;
	s21 =	sshll.u32 s6, $0x1;
	s3 =	sadd.s32 s4, s19  }
0x9c: {  	s7 =	simm.s32 $0x0;
	s20 =	sshll.u32 s5, $0x1;
	s5 =	sadd.s32 s21, s3  }
0x9d: {  	[timem:s7], [sflag:s22] =	dma.local [hbm:s5], s20  }
0x9e: {  	_ =	swait.ge [sflag:s22], s20  }
0x9f: {  	s4 =	ssub.s32 $0x0, s20;
	[sflag:s22] =	ssyncset.done $0x0  }
0xa0: {  	[sflag:s22] =	ssyncadd.s32 s4;
	_ =	sdelay $0x1  }
0xa1: {  	s23 =	simm.s32 $0x1B8B  }
0xa2: {  	_ =	swait.ge [sflag:s23], $0x1  }
0xa3: {  	[sflag:s23] =	ssyncset.done $0x0  }
0xa4: {  	s25 =	simm.s32 $0x1B8E;
	s24 =	sld [smem:$0x3FFE];
	[sflag:s23] =	ssyncadd.s32 $0xFFFFFFFF  }
0xa5: {  	s26 =	simm.s32 $execute0_lowered;
	[smem:$0x3FD2] =	sst s25  }
0xa6: {  	s5 =	sshll.u32 s26, $0x1;
	_ =	strace $0x80000049;
	[dreg:$0x1] =	wrdreg $0xFFFFFFFF  }
0xa7: {  	s28 =	simm.s32 $_size_execute0_lowered;
	s3 =	sadd.s32 s3, s5;
	[dreg:$0x0] =	wrdreg $0x0  }
0xa8: {  	s5 =	sshll.u32 s28, $0x1;
	[dreg:$0x2] =	wrdreg s3  }
0xa9: {  	[dreg:$0x3] =	wrdreg s5  }
0xaa: {  	[dreg:$0x4] =	wrdreg $0xC0  }
0xab: {  	_ =	task [dreg:s7], $0x5FFFF  }
0xac: {  	[dreg:$0x1] =	wrdreg $0xFFFFFFFF  }
0xad: {  	[dreg:$0x0] =	wrdreg $0x60  }
0xae: {  	[dreg:$0x2] =	wrdreg s24  }
0xaf: {  	[dreg:$0x3] =	wrdreg s2  }
0xb0: {  	[dreg:$0x4] =	wrdreg $0x9  }
0xb1: {  	_ =	task.clear_ibuf [dreg:s7], $0x5FFFF;
	_ =	strace $0x90000049  }
0xb2: {  	s29 =	simm.s32 $0x9;
	_ =	strace $0x8000004B  }
0xb3: {  	_ =	swait.ge [sflag:s29], $0x1  }
0xb4: {  	[sflag:s29] =	ssyncadd.s32 $0xFFFFFFFF  }
0xb5: {  	_ =	strace $0x9000004B  }
0xb6: {  	_ =	sfence  }
0xb7: {  	s30 =	sld [smem:$0x0];
	_ =	sdelay $0x2  }
0xb8: {  	s31 =	sshll.u32 s1, $0xD;
	s1 =	sshrl.u32 s1, $0x2  }
0xb9: {  	s3 =	sand.u32 $0x4000, s31;
	s1 =	sadd.s32 s1, s30  }
0xba: {  	s0 =	sor.u32 s3, s0;
	s1 =	sshll.u32 s1, $0x11  }
0xbb: {  	s0 =	sor.u32 s1, s0  }
0xbc: {  	s0 =	sadd.s32 $0x8F2B, s0  }
0xbd: {  	[sflag:s0] =	ssyncadd.remote.s32 $0x1  }
0xbe: {  	_ =	sfence.sel $0xFFFF  }
0xbf: {  	[dreg:$0x0] =	wrdreg $0xFFFFFFFF;
	(pc) =	sbr.abs _section_cstart, $3  }
0xc0: {  	[dreg:$0x1] =	wrdreg $0xFFFFFFFF  }
0xc1: {  	_ =	task.clear_ibuf [dreg:s7], $0x2FFFF;
	_ =	strace $0x9FFFFFFF  }
0xc2: {  	(tm) =	ssettm $0x7FFFFFFF  }
0xc3: {  	_ =	shalt  }
tec
execute0_lowered:
.L_overlay_start_1:
0x0: {  	(tag) =	ssettag $0x1  }
0x1: {  	s0 =	rddreg [dreg:$0x0]  }
0x2: {  	s5 =	rddreg [dreg:$0x1];
	s3 =	srdreg.scid  }
0x3: {  	s2 =	simm.s32 $0x0;
	s1 =	stileid.u32;
	s26 =	simm.s32 $0x880  }
0x4: {  	s10 =	simm.s32 $0x1880;
	s11 =	simm.s32 $0x2080;
	s12 =	simm.s32 $0x2880  }
0x5: {  	s13 =	simm.s32 $0x3080;
	s14 =	simm.s32 $0x3880;
	s15 =	simm.s32 $0x4080  }
0x6: {  	s16 =	simm.s32 $0x4880;
	s17 =	simm.s32 $0x5080;
	s18 =	simm.s32 $0x5880  }
0x7: {  	s19 =	simm.s32 $0x6080;
	s20 =	simm.s32 $0x6880;
	s21 =	simm.s32 $0x7080  }
0x8: {  	s22 =	simm.s32 $0x7880;
	s28 =	simm.s32 $0xA080;
	s29 =	simm.s32 $0xA880  }
0x9: {  	s30 =	simm.s32 $0xB080;
	s31 =	simm.s32 $0xB880;
	s3 =	sand.u32 $0x1, s3  }
0xa: {  	[smem:$0x7FF] =	sst s2;
	s4 =	sshll.u32 s1, $0x4;
	s6 =	sshll.u32 s3, $0x3  }
0xb: {  	_ =	strace $0x8000004A;
	s23 =	ssub.s32 $0x2, s3;
	s3 =	sadd.s32 $0x43200, s0  }
0xc: {  	[dreg:$0x5] =	wrdreg s26;
	s26 =	simm.s32 $0x9880;
	s4 =	sor.u32 s6, s4  }
0xd: {  	s8 =	sshrl.u32 s23, $0x1;
	s7 =	sadd.s32 s4, s0;
	s9 =	smul.u32 $0x300, s4  }
0xe: {  	s6 =	ssub.s32 s23, s8;
	s4 =	sadd.s32 $0x43300, s0;
	s8 =	simm.s32 $0x80  }
0xf: {  	s23 =	simm.s32 $0x8080;
	s24 =	sadd.s32 $0x1800, s7;
	s6 =	smax.u32 s6, $0x1  }
0x10: {  	v2 =	vlaneseq.u32;
	s7 =	simm.s32 $0x2;
	[dreg:$0x3] =	wrdreg s24;
	s25 =	sadd.s32 s5, s9  }
0x11: {  	vm0 =	vmmov $0xffff;
	v1 =	vshrl.u32 v2, $0x3;
	s5 =	sadd.s32 $0x43400, s0;
	s9 =	simm.s32 $0x1080;
	s24 =	simm.s32 $0x8880  }
0x12: {  	v0 =	vand.u32 $0x7, v2;
	v2 =	vor.u32 $0x8, v2;
	v1 =	vmul.u32 $0x8, v1;
	s0 =	simm.s32 $0x1;
	[dreg:$0x4] =	wrdreg s25;
	s25 =	simm.s32 $0x9080  }
.LBB2_1:
0x13: {  	s1 =	rddreg [dreg:$0x3]  }
0x14: {  	[tilespmem:s2], [sflag:$0x2] =	stream.linear.gather [hbm4b:s1+s2], $0x40, $0x38;
	[tilespmem:$0xC080] =	vst v63  }
0x15: {  	_ =	swait.ge [sflag:s7], $0x40  }
0x16: {  	[sflag:s7] =	ssyncset.done $0x0  }
0x17: {  	[sflag:s7] =	ssyncadd.s32 $0xFFFFFFC0  }
0x18: {  	v3 =	vld [tilespmem:$0x0];
	_ =	sdelay $0x4  }
0x19: {  	v4 =	vshrl.u32 v3, $0x3  }
0x1a: {  	v4 =	vmul.u32 $0x30, v4  }
0x1b: {  	v3 =	vand.u32 $0x7, v3  }
0x1c: {  	v3 =	vor.u32 v3, v4  }
0x1d: {  	v4 =	vperm.xlane v3, v0;
	_ =	sdelay $0x1  }
0x1e: {  	v4 =	vadd.s32 v1, v4;
	_ =	sdelay $0x3  }
0x1f: {  	v3 =	vperm.xlane v3, v2  }
0x20: {  	[tilespmem:s8], [sflag:$0x1] =	stream.indirect_vreg.gather [hbm4b:s3+s2], $0x80, v4, vm0, $0xb8;
	[tilespmem:$0xC080] =	vst v63  }
0x21: {  	s1 =	rddreg [dreg:$0x5];
	v3 =	vadd.s32 v1, v3  }
0x22: {  	[tilespmem:s1], [sflag:$0x1] =	stream.indirect_vreg.gather [hbm4b:s4+s2], $0x80, v4, vm0, $0xb8;
	[tilespmem:$0xC080] =	vst v63  }
0x23: {  	_ = 	snop  }
0x24: {  	[tilespmem:s9], [sflag:$0x1] =	stream.indirect_vreg.gather [hbm4b:s5+s2], $0x80, v4, vm0, $0xb8;
	[tilespmem:$0xC080] =	vst v63  }
0x25: {  	_ = 	snop  }
0x26: {  	[tilespmem:s10], [sflag:$0x1] =	stream.indirect_vreg.gather [hbm4b:s3+s2], $0x80, v3, vm0, $0xb8;
	[tilespmem:$0xC080] =	vst v63  }
0x27: {  	_ = 	snop  }
0x28: {  	[tilespmem:s11], [sflag:$0x1] =	stream.indirect_vreg.gather [hbm4b:s4+s2], $0x80, v3, vm0, $0xb8;
	[tilespmem:$0xC080] =	vst v63  }
0x29: {  	_ = 	snop  }
0x2a: {  	[tilespmem:s12], [sflag:$0x1] =	stream.indirect_vreg.gather [hbm4b:s5+s2], $0x80, v3, vm0, $0xb8;
	[tilespmem:$0xC080] =	vst v63  }
0x2b: {  	v3 =	vld [tilespmem:$0x10];
	_ =	sdelay $0x4  }
0x2c: {  	v61 =	vshrl.u32 v3, $0x3  }
0x2d: {  	v4 =	vmul.u32 $0x30, v61  }
0x2e: {  	v3 =	vand.u32 $0x7, v3  }
0x2f: {  	v3 =	vor.u32 v3, v4  }
0x30: {  	v4 =	vperm.xlane v3, v0;
	_ =	sdelay $0x1  }
0x31: {  	v4 =	vadd.s32 v1, v4;
	_ =	sdelay $0x3  }
0x32: {  	v3 =	vperm.xlane v3, v2  }
0x33: {  	[tilespmem:s13], [sflag:$0x1] =	stream.indirect_vreg.gather [hbm4b:s3+s2], $0x80, v4, vm0, $0xb8;
	[tilespmem:$0xC080] =	vst v63  }
0x34: {  	v3 =	vadd.s32 v1, v3  }
0x35: {  	[tilespmem:s14], [sflag:$0x1] =	stream.indirect_vreg.gather [hbm4b:s4+s2], $0x80, v4, vm0, $0xb8;
	[tilespmem:$0xC080] =	vst v63  }
0x36: {  	_ = 	snop  }
0x37: {  	[tilespmem:s15], [sflag:$0x1] =	stream.indirect_vreg.gather [hbm4b:s5+s2], $0x80, v4, vm0, $0xb8;
	[tilespmem:$0xC080] =	vst v63  }
0x38: {  	_ = 	snop  }
0x39: {  	[tilespmem:s16], [sflag:$0x1] =	stream.indirect_vreg.gather [hbm4b:s3+s2], $0x80, v3, vm0, $0xb8;
	[tilespmem:$0xC080] =	vst v63  }
0x3a: {  	_ = 	snop  }
0x3b: {  	[tilespmem:s17], [sflag:$0x1] =	stream.indirect_vreg.gather [hbm4b:s4+s2], $0x80, v3, vm0, $0xb8;
	[tilespmem:$0xC080] =	vst v63  }
0x3c: {  	_ = 	snop  }
0x3d: {  	[tilespmem:s18], [sflag:$0x1] =	stream.indirect_vreg.gather [hbm4b:s5+s2], $0x80, v3, vm0, $0xb8;
	[tilespmem:$0xC080] =	vst v63  }
0x3e: {  	v3 =	vld [tilespmem:$0x20];
	_ =	sdelay $0x4  }
0x3f: {  	v62 =	vshrl.u32 v3, $0x3  }
0x40: {  	v4 =	vmul.u32 $0x30, v62  }
0x41: {  	v3 =	vand.u32 $0x7, v3  }
0x42: {  	v3 =	vor.u32 v3, v4  }
0x43: {  	v4 =	vperm.xlane v3, v0;
	_ =	sdelay $0x1  }
0x44: {  	v4 =	vadd.s32 v1, v4;
	_ =	sdelay $0x3  }
0x45: {  	v3 =	vperm.xlane v3, v2  }
0x46: {  	[tilespmem:s19], [sflag:$0x1] =	stream.indirect_vreg.gather [hbm4b:s3+s2], $0x80, v4, vm0, $0xb8;
	[tilespmem:$0xC080] =	vst v63  }
0x47: {  	v3 =	vadd.s32 v1, v3  }
0x48: {  	[tilespmem:s20], [sflag:$0x1] =	stream.indirect_vreg.gather [hbm4b:s4+s2], $0x80, v4, vm0, $0xb8;
	[tilespmem:$0xC080] =	vst v63  }
0x49: {  	_ = 	snop  }
0x4a: {  	[tilespmem:s21], [sflag:$0x1] =	stream.indirect_vreg.gather [hbm4b:s5+s2], $0x80, v4, vm0, $0xb8;
	[tilespmem:$0xC080] =	vst v63  }
0x4b: {  	_ = 	snop  }
0x4c: {  	[tilespmem:s22], [sflag:$0x1] =	stream.indirect_vreg.gather [hbm4b:s3+s2], $0x80, v3, vm0, $0xb8;
	[tilespmem:$0xC080] =	vst v63  }
0x4d: {  	_ = 	snop  }
0x4e: {  	[tilespmem:s23], [sflag:$0x1] =	stream.indirect_vreg.gather [hbm4b:s4+s2], $0x80, v3, vm0, $0xb8;
	[tilespmem:$0xC080] =	vst v63  }
0x4f: {  	_ = 	snop  }
0x50: {  	[tilespmem:s24], [sflag:$0x1] =	stream.indirect_vreg.gather [hbm4b:s5+s2], $0x80, v3, vm0, $0xb8;
	[tilespmem:$0xC080] =	vst v63  }
0x51: {  	v3 =	vld [tilespmem:$0x30];
	_ =	sdelay $0x4  }
0x52: {  	v63 =	vshrl.u32 v3, $0x3  }
0x53: {  	v4 =	vmul.u32 $0x30, v63  }
0x54: {  	v3 =	vand.u32 $0x7, v3  }
0x55: {  	v3 =	vor.u32 v3, v4  }
0x56: {  	v4 =	vperm.xlane v3, v0;
	_ =	sdelay $0x1  }
0x57: {  	v4 =	vadd.s32 v1, v4;
	_ =	sdelay $0x3  }
0x58: {  	v3 =	vperm.xlane v3, v2  }
0x59: {  	[tilespmem:s25], [sflag:$0x1] =	stream.indirect_vreg.gather [hbm4b:s3+s2], $0x80, v4, vm0, $0xb8;
	[tilespmem:$0xC080] =	vst v63  }
0x5a: {  	v3 =	vadd.s32 v1, v3  }
0x5b: {  	[tilespmem:s26], [sflag:$0x1] =	stream.indirect_vreg.gather [hbm4b:s4+s2], $0x80, v4, vm0, $0xb8;
	[tilespmem:$0xC080] =	vst v63  }
0x5c: {  	_ = 	snop  }
0x5d: {  	[tilespmem:s28], [sflag:$0x1] =	stream.indirect_vreg.gather [hbm4b:s5+s2], $0x80, v4, vm0, $0xb8;
	[tilespmem:$0xC080] =	vst v63  }
0x5e: {  	_ = 	snop  }
0x5f: {  	[tilespmem:s29], [sflag:$0x1] =	stream.indirect_vreg.gather [hbm4b:s3+s2], $0x80, v3, vm0, $0xb8;
	[tilespmem:$0xC080] =	vst v63  }
0x60: {  	_ = 	snop  }
0x61: {  	[tilespmem:s30], [sflag:$0x1] =	stream.indirect_vreg.gather [hbm4b:s4+s2], $0x80, v3, vm0, $0xb8;
	[tilespmem:$0xC080] =	vst v63  }
0x62: {  	_ = 	snop  }
0x63: {  	[tilespmem:s31], [sflag:$0x1] =	stream.indirect_vreg.gather [hbm4b:s5+s2], $0x80, v3, vm0, $0xb8;
	[tilespmem:$0xC080] =	vst v63  }
0x64: {  	_ =	swait.ge [sflag:s0], $0xC000  }
0x65: {  	p0 =	sne.s32 s6, $0x1;
	[sflag:s0] =	ssyncset.done $0x0  }
.Ltmp0:
0x66: {  	s1 =	rddreg [dreg:$0x4];
	[sflag:s0] =	ssyncadd.s32 $0xFFFF4000;
	(pc) =	sbr.rel @p0 .LBB2_1-.Ltmp0, $4  }
0x67: {  	[hbm4b:s1+s2] =	stream.linear.scatter [tilespmem:s8], [sflag:$0x2], $0xC000, $0x38;
	[tilespmem:$0xC080] =	vst v63  }
0x68: {  	_ =	swait.ge [sflag:s7], $0xC000  }
0x69: {  	[sflag:s7] =	ssyncset.done $0x0  }
0x6a: {  	s6 =	sadd.s32 $0xFFFFFFFF, s6;
	[sflag:s7] =	ssyncadd.s32 $0xFFFF4000  }
0x6b: {  	_ =	sfence.sel $0x180000  }
0x6c: {  	[bflag:$0x0] =	sbarrier.arrive $0xFFFF  }
0x6d: {  	_ =	strace $0x9000004A  }
0x6e: {  	s0 =	stileid.u32;
	[bflag:$0x2] =	sbarrier.arrive $0xFFFF  }
0x6f: {  	p0 =	sne.s32 s0, $0x0;
	s0 =	rddreg [dreg:$0x2]  }
0x70: {  	s0 =	sadd.s32 @!p0 $0x100000, s0  }
0x71: {  	[sflag:s0] =	ssyncadd.tile.s32 @!p0 $0x1;
	_ =	shalt  }
.Lfunc_end2:
_tile_overlayer_lowered:
.L_overlay_start_2:
0x72: {  	(tag) =	ssettag $0x2  }
0x73: {  	s0 =	rddreg [dreg:$0x0];
	s2 =	stileid.u32  }
0x74: {  	s1 =	rddreg [dreg:$0x1];
	p0 =	sne.s32 s2, $0x0  }
0x75: {  	s3 =	rddreg [dreg:$0x2];
	[bflag:$0x3] =	sbarrier.arrive $0xFFFF;
	s2 =	simm.s32 @!p0 $0x1C02  }
0x76: {  	[timem:s3], [sflag:s2] =	dma.local @!p0 [hbm:s0], s1  }
0x77: {  	s0 =	simm.s32 @!p0 $0x2  }
0x78: {  	_ =	swait.ge @!p0 [sflag:s0], s1  }
0x79: {  	s1 =	ssub.s32 @!p0 $0x0, s1;
	[sflag:s0] =	ssyncset.done @!p0 $0x0  }
0x7a: {  	[sflag:s0] =	ssyncadd.s32 @!p0 s1  }
0x7b: {  	[bflag:$0x3] =	sbarrier.arrive $0xFFFF  }
0x7c: {  	_ =	shalt  }

</sc_bundles>
